<compile_context>
chip_gen: v7x
topology: tpu7x:2x2x1
jax: 0.10.2.dev20260603
libtpu: 0.0.44.dev20260713+nightly
codegen_flags: <defaults>
</compile_context>

<pallas_src>
import functools

import jax
import jax.numpy as jnp
from jax import lax
from jax.experimental import pallas as pl
from jax.experimental.pallas import tpu as pltpu
from jax.experimental.pallas import tpu_sc as plsc

N = 10000
E = 320000
F = 128
H = 128

NC = 2
NS = 16
NW = NC * NS
CH = 80
CPW = 125
NCH = NW * CPW
NPAD = 10240
RT = NPAD // NS
ZR = 16
NBUF = 4


@functools.cache
def _build_sc_seg_sum():
    mesh = plsc.VectorSubcoreMesh(
        core_axis_name="c", subcore_axis_name="s", num_cores=NC, num_subcores=NS
    )

    @functools.partial(
        pl.kernel,
        out_type=jax.ShapeDtypeStruct((NC, NPAD, H), jnp.float32),
        mesh=mesh,
        scratch_types=[
            pltpu.VMEM((NBUF, CH), jnp.int32),
            pltpu.VMEM((NBUF, CH), jnp.int32),
            pltpu.VMEM((NBUF, CH, H), jnp.float32),
            pltpu.VMEM((ZR, H), jnp.float32),
            pltpu.VMEM_SHARED((NPAD, H), jnp.float32),
            pltpu.SemaphoreType.DMA((NBUF,)),
            pltpu.SemaphoreType.DMA((NBUF,)),
            pltpu.SemaphoreType.DMA((NBUF,)),
            pltpu.SemaphoreType.DMA((NBUF,)),
        ],
    )
    def _sc_seg_sum(we_hbm, ei_hbm, out_hbm, idx_sr, idx_dr, rows, zbuf, acc,
                    gsem, ssem, lsem, dsem):
        c = lax.axis_index("c")
        s = lax.axis_index("s")
        wid = s * NC + c
        sbase = wid * CPW * CH
        dbase = E + wid * CPW * CH

        def load_src(t, b):
            pltpu.async_copy(ei_hbm.at[pl.ds(sbase + t * CH, CH)],
                             idx_sr.at[b], lsem.at[b])

        def drain_src(t, b):
            pltpu.make_async_copy(ei_hbm.at[pl.ds(sbase + t * CH, CH)],
                                  idx_sr.at[b], lsem.at[b]).wait()

        def load_dst(t, b):
            pltpu.async_copy(ei_hbm.at[pl.ds(dbase + t * CH, CH)],
                             idx_dr.at[b], dsem.at[b])

        def drain_dst(t, b):
            pltpu.make_async_copy(ei_hbm.at[pl.ds(dbase + t * CH, CH)],
                                  idx_dr.at[b], dsem.at[b]).wait()

        def fire(b):
            pltpu.async_copy(we_hbm.at[idx_sr.at[b]], rows.at[b], gsem.at[b])

        def drain_gather(b):
            pltpu.make_async_copy(we_hbm.at[idx_sr.at[b]], rows.at[b],
                                  gsem.at[b]).wait()

        def scat(t, b):
            pltpu.async_copy(rows.at[b], acc.at[idx_dr.at[b]], ssem.at[b],
                             add=True)

        def drain_scat(t, b):
            pltpu.make_async_copy(rows.at[b], acc.at[idx_dr.at[b]],
                                  ssem.at[b]).wait()

        for b in range(NBUF):
            load_src(b, b)
            load_dst(b, b)

        zeros16 = jnp.zeros((16,), jnp.float32)

        def zfill(i, carry):
            for cc in range(H // 16):
                zbuf[i, pl.ds(cc * 16, 16)] = zeros16
            return carry

        lax.fori_loop(0, ZR, zfill, 0)
        for k in range(RT // ZR):
            pltpu.sync_copy(zbuf, acc.at[pl.ds(s * RT + k * ZR, ZR)])

        plsc.subcore_barrier()

        for b in range(NBUF - 1):
            drain_src(b, b)
            fire(b)

        @pl.loop(0, CPW)
        def _(t):
            b = lax.rem(t, NBUF)
            nb = lax.rem(t + NBUF - 1, NBUF)

            @pl.when(t + NBUF - 1 < CPW)
            def _():
                @pl.when(t >= 1)
                def _():
                    drain_scat(t - 1, nb)

                    @pl.when(t - 1 + NBUF < CPW)
                    def _():
                        load_dst(t - 1 + NBUF, nb)

                drain_src(t + NBUF - 1, nb)
                fire(nb)

            drain_gather(b)
            drain_dst(t, b)
            scat(t, b)

            @pl.when(t + NBUF < CPW)
            def _():
                load_src(t + NBUF, b)

        for k in range(NBUF):
            drain_scat(CPW - NBUF + k, (CPW - NBUF + k) % NBUF)

        plsc.subcore_barrier()
        pltpu.sync_copy(acc.at[pl.ds(s * RT, RT)],
                        out_hbm.at[c, pl.ds(s * RT, RT)])

    return _sc_seg_sum


def _chunk_edges(edge_index):
    return edge_index.reshape(2 * E)


def _tc_mlp_body(parts, x, wc1, wn, wc2, wf1, wf2, wfc, be_, bc1, bn_, bc2,
                 bf1, gf, bef, bf2, gbn, bebn, bfc, o_ref):
    agg = parts[0, :N] + parts[1, :N] + be_[...]
    out = agg + jnp.dot(agg, wc1[...], preferred_element_type=jnp.float32) + bc1[...]
    xn = jnp.dot(x[...], wn[...], preferred_element_type=jnp.float32) + bn_[...]
    out = out + xn + jnp.dot(xn, wc2[...], preferred_element_type=jnp.float32) + bc2[...]
    out = jnp.maximum(out, 0.0)
    h = jnp.dot(out, wf1[...], preferred_element_type=jnp.float32) + bf1[...]
    h = jnp.maximum(h, 0.0)
    mu = jnp.mean(h, axis=0, keepdims=True)
    var = jnp.mean((h - mu) * (h - mu), axis=0, keepdims=True)
    h = (h - mu) * lax.rsqrt(var + 1e-5) * gf[...] + bef[...]
    h = jnp.dot(h, wf2[...], preferred_element_type=jnp.float32) + bf2[...]
    mu2 = jnp.mean(h, axis=0, keepdims=True)
    var2 = jnp.mean((h - mu2) * (h - mu2), axis=0, keepdims=True)
    h = (h - mu2) * lax.rsqrt(var2 + 1e-5) * gbn[...] + bebn[...]
    h = jnp.maximum(h, 0.0)
    o_ref[...] = jnp.dot(h, wfc[...], preferred_element_type=jnp.float32) + bfc[...]


_tc_mlp = pl.pallas_call(
    _tc_mlp_body,
    out_shape=jax.ShapeDtypeStruct((N, H), jnp.float32),
)


def kernel(x, edge_index, W_edge, b_edge, W_node, b_node, W_cat1, b_cat1,
           W_cat2, b_cat2, W_f1, b_f1, g_f, be_f, W_f2, b_f2,
           g_bn, be_bn, W_fc, b_fc):
    parts = _build_sc_seg_sum()(W_edge, _chunk_edges(edge_index))
    r = lambda v: v.reshape(1, H)
    return _tc_mlp(parts, x, W_cat1, W_node, W_cat2, W_f1, W_f2, W_fc,
                   r(b_edge), r(b_cat1), r(b_node), r(b_cat2), r(b_f1),
                   r(g_f), r(be_f), r(b_f2), r(g_bn), r(be_bn), r(b_fc))

# --- scband reference (transcript-rebuilt; emitter-appended) ---
"""Pipeline reference for scband-link-x-35588099015569 (READ-ONLY COPY).

The authoritative reference and input builder live on the scoring server;
editing this copy changes nothing except your own understanding.
"""

import jax, jax.numpy as jnp
import numpy as np

N = 10000
E = 320000
F = 128
H = 128


def _bn(h, gamma, beta, eps=1e-5):
    mu = jnp.mean(h, axis=0, keepdims=True)
    var = jnp.var(h, axis=0, keepdims=True)
    return (h - mu) / jnp.sqrt(var + eps) * gamma + beta


def _glorot(k, shape):
    lim = float(np.sqrt(6.0 / (shape[0] + shape[1])))
    return jax.random.uniform(k, shape, jnp.float32, -lim, lim)


def setup_inputs(seed: int = 0):
    key = jax.random.key(seed)
    ks = jax.random.split(key, 12)
    return {
        "x": jax.random.normal(ks[0], (N, F), jnp.float32),
        "edge_index": jax.random.randint(ks[1], (2, E), 0, N, jnp.int32),
        "W_edge": _glorot(ks[2], (N, H)),
        "b_edge": jnp.zeros((H,), jnp.float32),
        "W_node": _glorot(ks[3], (F, H)),
        "b_node": jnp.zeros((H,), jnp.float32),
        "W_cat1": _glorot(ks[4], (H, H)),
        "b_cat1": jnp.zeros((H,), jnp.float32),
        "W_cat2": _glorot(ks[5], (H, H)),
        "b_cat2": jnp.zeros((H,), jnp.float32),
        "W_f1": _glorot(ks[6], (H, H)),
        "b_f1": jnp.zeros((H,), jnp.float32),
        "g_f": jnp.ones((H,), jnp.float32),
        "be_f": jnp.zeros((H,), jnp.float32),
        "W_f2": _glorot(ks[7], (H, H)),
        "b_f2": jnp.zeros((H,), jnp.float32),
        "g_bn": jnp.ones((H,), jnp.float32),
        "be_bn": jnp.zeros((H,), jnp.float32),
        "W_fc": _glorot(ks[8], (H, H)),
        "b_fc": jnp.zeros((H,), jnp.float32),
    }


def reference(x, edge_index, W_edge, b_edge, W_node, b_node, W_cat1, b_cat1,
              W_cat2, b_cat2, W_f1, b_f1, g_f, be_f, W_f2, b_f2,
              g_bn, be_bn, W_fc, b_fc):
    src = edge_index[0]
    dst = edge_index[1]
    # LINKX SparseLinear: out[dst] += W_edge[src]  (A @ W)
    out = jax.ops.segment_sum(jnp.take(W_edge, src, axis=0), dst, num_segments=N) + b_edge
    out = out + (out @ W_cat1 + b_cat1)
    # node_mlp (single linear, num_node_layers=1)
    xn = x @ W_node + b_node
    out = out + xn
    out = out + (xn @ W_cat2 + b_cat2)
    out = jax.nn.relu(out)
    # final_mlp (num_layers=2): Linear -> relu (act_first) -> batch_norm -> dropout(id) -> Linear
    h = out @ W_f1 + b_f1
    h = jax.nn.relu(h)
    h = _bn(h, g_f, be_f)
    h = h @ W_f2 + b_f2
    # wrapper: bn -> relu -> dropout(id) -> fc
    h = _bn(h, g_bn, be_bn)
    h = jax.nn.relu(h)
    h = h @ W_fc + b_fc
    return h

if __name__ == "__main__":
    import jax
    _d = setup_inputs()
    print(jax.jit(kernel)(*tuple(_d.values())))

</pallas_src>

<mosaic_0001>
#map = affine_map<(d0, d1) -> (0, 0)>
#map1 = affine_map<(d0, d1) -> (0)>
#map2 = affine_map<(d0, d1) -> (0, 0, 0)>
module attributes {stable_mosaic.version = 14 : i64} {
  func.func @_sc_seg_sum(%arg0: i32, %arg1: i32, %arg2: memref<10000x128xf32, #tpu.memory_space<hbm>>, %arg3: memref<640000xi32, #tpu.memory_space<hbm>>, %arg4: memref<2x10240x128xf32, #tpu.memory_space<hbm>>, %arg5: memref<4x80xi32, #tpu.memory_space<vmem>>, %arg6: memref<4x80xi32, #tpu.memory_space<vmem>>, %arg7: memref<4x80x128xf32, #tpu.memory_space<vmem>>, %arg8: memref<16x128xf32, #tpu.memory_space<vmem>>, %arg9: memref<10240x128xf32, #tpu.memory_space<vmem_shared>>, %arg10: memref<4x!tpu.dma_semaphore, #tpu.memory_space<semaphore_mem>>, %arg11: memref<4x!tpu.dma_semaphore, #tpu.memory_space<semaphore_mem>>, %arg12: memref<4x!tpu.dma_semaphore, #tpu.memory_space<semaphore_mem>>, %arg13: memref<4x!tpu.dma_semaphore, #tpu.memory_space<semaphore_mem>>) attributes {dimension_semantics = [#tpu.dimension_semantics<core_parallel>, #tpu.dimension_semantics<subcore_parallel>], iteration_bounds = array<i64: 2, 16>, scalar_prefetch = 0 : i64, scratch_operands = 9 : i64, tpu.core_type = #tpu.core_type<sc_vector_subcore>, window_params = [{transform_indices = #map}, {transform_indices = #map1}, {transform_indices = #map2}]} {
    %mul3A = arith.constant 2 : i32
    %mul3A_0 = arith.muli %arg1, %mul3A : i32
    %add3A = arith.addi %mul3A_0, %arg0 : i32
    %mul3A_1 = arith.constant 125 : i32
    %mul3A_2 = arith.muli %add3A, %mul3A_1 : i32
    %mul3A_3 = arith.constant 80 : i32
    %mul3A_4 = arith.muli %mul3A_2, %mul3A_3 : i32
    %mul3A_5 = arith.constant 125 : i32
    %mul3A_6 = arith.muli %add3A, %mul3A_5 : i32
    %mul3A_7 = arith.constant 80 : i32
    %mul3A_8 = arith.muli %mul3A_6, %mul3A_7 : i32
    %add3A_9 = arith.constant 320000 : i32
    %add3A_10 = arith.addi %add3A_9, %mul3A_8 : i32
    %add3A_11 = arith.constant 0 : i32
    %add3A_12 = arith.addi %mul3A_4, %add3A_11 : i32
    %dma_start3A = arith.constant 0 : i32
    %dma_start3A_13 = arith.constant 0 : i32
    %dma_start3A_14 = arith.constant 0 : i32
    %dma_start3A_15 = tpu.memref_slice %arg5[%dma_start3A, %dma_start3A_14] : memref<4x80xi32, #tpu.memory_space<vmem>> -> memref<1x80xi32, #tpu.memory_space<vmem>>
    %dma_start3A_16 = tpu.memref_squeeze %dma_start3A_15 : memref<1x80xi32, #tpu.memory_space<vmem>> -> memref<80xi32, #tpu.memory_space<vmem>>
    %dma_start3A_17 = tpu.memref_slice %arg3[%add3A_12] : memref<640000xi32, #tpu.memory_space<hbm>> -> memref<80xi32, #tpu.memory_space<hbm>>
    %dma_start3A_18 = tpu.memref_slice %arg12[%dma_start3A_13] : memref<4x!tpu.dma_semaphore, #tpu.memory_space<semaphore_mem>> -> memref<1x!tpu.dma_semaphore, #tpu.memory_space<semaphore_mem>>
    %dma_start3A_19 = tpu.memref_squeeze %dma_start3A_18 : memref<1x!tpu.dma_semaphore, #tpu.memory_space<semaphore_mem>> -> memref<!tpu.dma_semaphore, #tpu.memory_space<semaphore_mem>>
    %dma_start3A_20 = arith.constant 0 : i32
    %dma_start3A_21 = tpu.memref_slice %arg5[%dma_start3A, %dma_start3A_20] : memref<4x80xi32, #tpu.memory_space<vmem>> -> memref<1x80xi32, #tpu.memory_space<vmem>>
    %dma_start3A_22 = tpu.memref_squeeze %dma_start3A_21 : memref<1x80xi32, #tpu.memory_space<vmem>> -> memref<80xi32, #tpu.memory_space<vmem>>
    %dma_start3A_23 = tpu.memref_slice %arg3[%add3A_12] : memref<640000xi32, #tpu.memory_space<hbm>> -> memref<80xi32, #tpu.memory_space<hbm>>
    tpu.enqueue_dma source(%dma_start3A_23 : memref<80xi32, #tpu.memory_space<hbm>>) target(%dma_start3A_22 : memref<80xi32, #tpu.memory_space<vmem>>) target_semaphore(%dma_start3A_19 : memref<!tpu.dma_semaphore, #tpu.memory_space<semaphore_mem>>)
    %add3A_24 = arith.constant 0 : i32
    %add3A_25 = arith.addi %add3A_10, %add3A_24 : i32
    %dma_start3A_26 = arith.constant 0 : i32
    %dma_start3A_27 = arith.constant 0 : i32
    %dma_start3A_28 = arith.constant 0 : i32
    %dma_start3A_29 = tpu.memref_slice %arg6[%dma_start3A_26, %dma_start3A_28] : memref<4x80xi32, #tpu.memory_space<vmem>> -> memref<1x80xi32, #tpu.memory_space<vmem>>
    %dma_start3A_30 = tpu.memref_squeeze %dma_start3A_29 : memref<1x80xi32, #tpu.memory_space<vmem>> -> memref<80xi32, #tpu.memory_space<vmem>>
    %dma_start3A_31 = tpu.memref_slice %arg3[%add3A_25] : memref<640000xi32, #tpu.memory_space<hbm>> -> memref<80xi32, #tpu.memory_space<hbm>>
    %dma_start3A_32 = tpu.memref_slice %arg13[%dma_start3A_27] : memref<4x!tpu.dma_semaphore, #tpu.memory_space<semaphore_mem>> -> memref<1x!tpu.dma_semaphore, #tpu.memory_space<semaphore_mem>>
    %dma_start3A_33 = tpu.memref_squeeze %dma_start3A_32 : memref<1x!tpu.dma_semaphore, #tpu.memory_space<semaphore_mem>> -> memref<!tpu.dma_semaphore, #tpu.memory_space<semaphore_mem>>
    %dma_start3A_34 = arith.constant 0 : i32
    %dma_start3A_35 = tpu.memref_slice %arg6[%dma_start3A_26, %dma_start3A_34] : memref<4x80xi32, #tpu.memory_space<vmem>> -> memref<1x80xi32, #tpu.memory_space<vmem>>
    %dma_start3A_36 = tpu.memref_squeeze %dma_start3A_35 : memref<1x80xi32, #tpu.memory_space<vmem>> -> memref<80xi32, #tpu.memory_space<vmem>>
    %dma_start3A_37 = tpu.memref_slice %arg3[%add3A_25] : memref<640000xi32, #tpu.memory_space<hbm>> -> memref<80xi32, #tpu.memory_space<hbm>>
    tpu.enqueue_dma source(%dma_start3A_37 : memref<80xi32, #tpu.memory_space<hbm>>) target(%dma_start3A_36 : memref<80xi32, #tpu.memory_space<vmem>>) target_semaphore(%dma_start3A_33 : memref<!tpu.dma_semaphore, #tpu.memory_space<semaphore_mem>>)
    %add3A_38 = arith.constant 80 : i32
    %add3A_39 = arith.addi %mul3A_4, %add3A_38 : i32
    %dma_start3A_40 = arith.constant 1 : i32
    %dma_start3A_41 = arith.constant 1 : i32
    %dma_start3A_42 = arith.constant 0 : i32
    %dma_start3A_43 = tpu.memref_slice %arg5[%dma_start3A_40, %dma_start3A_42] : memref<4x80xi32, #tpu.memory_space<vmem>> -> memref<1x80xi32, #tpu.memory_space<vmem>>
    %dma_start3A_44 = tpu.memref_squeeze %dma_start3A_43 : memref<1x80xi32, #tpu.memory_space<vmem>> -> memref<80xi32, #tpu.memory_space<vmem>>
    %dma_start3A_45 = tpu.memref_slice %arg3[%add3A_39] : memref<640000xi32, #tpu.memory_space<hbm>> -> memref<80xi32, #tpu.memory_space<hbm>>
    %dma_start3A_46 = tpu.memref_slice %arg12[%dma_start3A_41] : memref<4x!tpu.dma_semaphore, #tpu.memory_space<semaphore_mem>> -> memref<1x!tpu.dma_semaphore, #tpu.memory_space<semaphore_mem>>
    %dma_start3A_47 = tpu.memref_squeeze %dma_start3A_46 : memref<1x!tpu.dma_semaphore, #tpu.memory_space<semaphore_mem>> -> memref<!tpu.dma_semaphore, #tpu.memory_space<semaphore_mem>>
    %dma_start3A_48 = arith.constant 0 : i32
    %dma_start3A_49 = tpu.memref_slice %arg5[%dma_start3A_40, %dma_start3A_48] : memref<4x80xi32, #tpu.memory_space<vmem>> -> memref<1x80xi32, #tpu.memory_space<vmem>>
    %dma_start3A_50 = tpu.memref_squeeze %dma_start3A_49 : memref<1x80xi32, #tpu.memory_space<vmem>> -> memref<80xi32, #tpu.memory_space<vmem>>
    %dma_start3A_51 = tpu.memref_slice %arg3[%add3A_39] : memref<640000xi32, #tpu.memory_space<hbm>> -> memref<80xi32, #tpu.memory_space<hbm>>
    tpu.enqueue_dma source(%dma_start3A_51 : memref<80xi32, #tpu.memory_space<hbm>>) target(%dma_start3A_50 : memref<80xi32, #tpu.memory_space<vmem>>) target_semaphore(%dma_start3A_47 : memref<!tpu.dma_semaphore, #tpu.memory_space<semaphore_mem>>)
    %add3A_52 = arith.constant 80 : i32
    %add3A_53 = arith.addi %add3A_10, %add3A_52 : i32
    %dma_start3A_54 = arith.constant 1 : i32
    %dma_start3A_55 = arith.constant 1 : i32
    %dma_start3A_56 = arith.constant 0 : i32
    %dma_start3A_57 = tpu.memref_slice %arg6[%dma_start3A_54, %dma_start3A_56] : memref<4x80xi32, #tpu.memory_space<vmem>> -> memref<1x80xi32, #tpu.memory_space<vmem>>
    %dma_start3A_58 = tpu.memref_squeeze %dma_start3A_57 : memref<1x80xi32, #tpu.memory_space<vmem>> -> memref<80xi32, #tpu.memory_space<vmem>>
    %dma_start3A_59 = tpu.memref_slice %arg3[%add3A_53] : memref<640000xi32, #tpu.memory_space<hbm>> -> memref<80xi32, #tpu.memory_space<hbm>>
    %dma_start3A_60 = tpu.memref_slice %arg13[%dma_start3A_55] : memref<4x!tpu.dma_semaphore, #tpu.memory_space<semaphore_mem>> -> memref<1x!tpu.dma_semaphore, #tpu.memory_space<semaphore_mem>>
    %dma_start3A_61 = tpu.memref_squeeze %dma_start3A_60 : memref<1x!tpu.dma_semaphore, #tpu.memory_space<semaphore_mem>> -> memref<!tpu.dma_semaphore, #tpu.memory_space<semaphore_mem>>
    %dma_start3A_62 = arith.constant 0 : i32
    %dma_start3A_63 = tpu.memref_slice %arg6[%dma_start3A_54, %dma_start3A_62] : memref<4x80xi32, #tpu.memory_space<vmem>> -> memref<1x80xi32, #tpu.memory_space<vmem>>
    %dma_start3A_64 = tpu.memref_squeeze %dma_start3A_63 : memref<1x80xi32, #tpu.memory_space<vmem>> -> memref<80xi32, #tpu.memory_space<vmem>>
    %dma_start3A_65 = tpu.memref_slice %arg3[%add3A_53] : memref<640000xi32, #tpu.memory_space<hbm>> -> memref<80xi32, #tpu.memory_space<hbm>>
    tpu.enqueue_dma source(%dma_start3A_65 : memref<80xi32, #tpu.memory_space<hbm>>) target(%dma_start3A_64 : memref<80xi32, #tpu.memory_space<vmem>>) target_semaphore(%dma_start3A_61 : memref<!tpu.dma_semaphore, #tpu.memory_space<semaphore_mem>>)
    %add3A_66 = arith.constant 160 : i32
    %add3A_67 = arith.addi %mul3A_4, %add3A_66 : i32
    %dma_start3A_68 = arith.constant 2 : i32
    %dma_start3A_69 = arith.constant 2 : i32
    %dma_start3A_70 = arith.constant 0 : i32
    %dma_start3A_71 = tpu.memref_slice %arg5[%dma_start3A_68, %dma_start3A_70] : memref<4x80xi32, #tpu.memory_space<vmem>> -> memref<1x80xi32, #tpu.memory_space<vmem>>
    %dma_start3A_72 = tpu.memref_squeeze %dma_start3A_71 : memref<1x80xi32, #tpu.memory_space<vmem>> -> memref<80xi32, #tpu.memory_space<vmem>>
    %dma_start3A_73 = tpu.memref_slice %arg3[%add3A_67] : memref<640000xi32, #tpu.memory_space<hbm>> -> memref<80xi32, #tpu.memory_space<hbm>>
    %dma_start3A_74 = tpu.memref_slice %arg12[%dma_start3A_69] : memref<4x!tpu.dma_semaphore, #tpu.memory_space<semaphore_mem>> -> memref<1x!tpu.dma_semaphore, #tpu.memory_space<semaphore_mem>>
    %dma_start3A_75 = tpu.memref_squeeze %dma_start3A_74 : memref<1x!tpu.dma_semaphore, #tpu.memory_space<semaphore_mem>> -> memref<!tpu.dma_semaphore, #tpu.memory_space<semaphore_mem>>
    %dma_start3A_76 = arith.constant 0 : i32
    %dma_start3A_77 = tpu.memref_slice %arg5[%dma_start3A_68, %dma_start3A_76] : memref<4x80xi32, #tpu.memory_space<vmem>> -> memref<1x80xi32, #tpu.memory_space<vmem>>
    %dma_start3A_78 = tpu.memref_squeeze %dma_start3A_77 : memref<1x80xi32, #tpu.memory_space<vmem>> -> memref<80xi32, #tpu.memory_space<vmem>>
    %dma_start3A_79 = tpu.memref_slice %arg3[%add3A_67] : memref<640000xi32, #tpu.memory_space<hbm>> -> memref<80xi32, #tpu.memory_space<hbm>>
    tpu.enqueue_dma source(%dma_start3A_79 : memref<80xi32, #tpu.memory_space<hbm>>) target(%dma_start3A_78 : memref<80xi32, #tpu.memory_space<vmem>>) target_semaphore(%dma_start3A_75 : memref<!tpu.dma_semaphore, #tpu.memory_space<semaphore_mem>>)
    %add3A_80 = arith.constant 160 : i32
    %add3A_81 = arith.addi %add3A_10, %add3A_80 : i32
    %dma_start3A_82 = arith.constant 2 : i32
    %dma_start3A_83 = arith.constant 2 : i32
    %dma_start3A_84 = arith.constant 0 : i32
    %dma_start3A_85 = tpu.memref_slice %arg6[%dma_start3A_82, %dma_start3A_84] : memref<4x80xi32, #tpu.memory_space<vmem>> -> memref<1x80xi32, #tpu.memory_space<vmem>>
    %dma_start3A_86 = tpu.memref_squeeze %dma_start3A_85 : memref<1x80xi32, #tpu.memory_space<vmem>> -> memref<80xi32, #tpu.memory_space<vmem>>
    %dma_start3A_87 = tpu.memref_slice %arg3[%add3A_81] : memref<640000xi32, #tpu.memory_space<hbm>> -> memref<80xi32, #tpu.memory_space<hbm>>
    %dma_start3A_88 = tpu.memref_slice %arg13[%dma_start3A_83] : memref<4x!tpu.dma_semaphore, #tpu.memory_space<semaphore_mem>> -> memref<1x!tpu.dma_semaphore, #tpu.memory_space<semaphore_mem>>
    %dma_start3A_89 = tpu.memref_squeeze %dma_start3A_88 : memref<1x!tpu.dma_semaphore, #tpu.memory_space<semaphore_mem>> -> memref<!tpu.dma_semaphore, #tpu.memory_space<semaphore_mem>>
    %dma_start3A_90 = arith.constant 0 : i32
    %dma_start3A_91 = tpu.memref_slice %arg6[%dma_start3A_82, %dma_start3A_90] : memref<4x80xi32, #tpu.memory_space<vmem>> -> memref<1x80xi32, #tpu.memory_space<vmem>>
    %dma_start3A_92 = tpu.memref_squeeze %dma_start3A_91 : memref<1x80xi32, #tpu.memory_space<vmem>> -> memref<80xi32, #tpu.memory_space<vmem>>
    %dma_start3A_93 = tpu.memref_slice %arg3[%add3A_81] : memref<640000xi32, #tpu.memory_space<hbm>> -> memref<80xi32, #tpu.memory_space<hbm>>
    tpu.enqueue_dma source(%dma_start3A_93 : memref<80xi32, #tpu.memory_space<hbm>>) target(%dma_start3A_92 : memref<80xi32, #tpu.memory_space<vmem>>) target_semaphore(%dma_start3A_89 : memref<!tpu.dma_semaphore, #tpu.memory_space<semaphore_mem>>)
    %add3A_94 = arith.constant 240 : i32
    %add3A_95 = arith.addi %mul3A_4, %add3A_94 : i32
    %dma_start3A_96 = arith.constant 3 : i32
    %dma_start3A_97 = arith.constant 3 : i32
    %dma_start3A_98 = arith.constant 0 : i32
    %dma_start3A_99 = tpu.memref_slice %arg5[%dma_start3A_96, %dma_start3A_98] : memref<4x80xi32, #tpu.memory_space<vmem>> -> memref<1x80xi32, #tpu.memory_space<vmem>>
    %dma_start3A_100 = tpu.memref_squeeze %dma_start3A_99 : memref<1x80xi32, #tpu.memory_space<vmem>> -> memref<80xi32, #tpu.memory_space<vmem>>
    %dma_start3A_101 = tpu.memref_slice %arg3[%add3A_95] : memref<640000xi32, #tpu.memory_space<hbm>> -> memref<80xi32, #tpu.memory_space<hbm>>
    %dma_start3A_102 = tpu.memref_slice %arg12[%dma_start3A_97] : memref<4x!tpu.dma_semaphore, #tpu.memory_space<semaphore_mem>> -> memref<1x!tpu.dma_semaphore, #tpu.memory_space<semaphore_mem>>
    %dma_start3A_103 = tpu.memref_squeeze %dma_start3A_102 : memref<1x!tpu.dma_semaphore, #tpu.memory_space<semaphore_mem>> -> memref<!tpu.dma_semaphore, #tpu.memory_space<semaphore_mem>>
    %dma_start3A_104 = arith.constant 0 : i32
    %dma_start3A_105 = tpu.memref_slice %arg5[%dma_start3A_96, %dma_start3A_104] : memref<4x80xi32, #tpu.memory_space<vmem>> -> memref<1x80xi32, #tpu.memory_space<vmem>>
    %dma_start3A_106 = tpu.memref_squeeze %dma_start3A_105 : memref<1x80xi32, #tpu.memory_space<vmem>> -> memref<80xi32, #tpu.memory_space<vmem>>
    %dma_start3A_107 = tpu.memref_slice %arg3[%add3A_95] : memref<640000xi32, #tpu.memory_space<hbm>> -> memref<80xi32, #tpu.memory_space<hbm>>
    tpu.enqueue_dma source(%dma_start3A_107 : memref<80xi32, #tpu.memory_space<hbm>>) target(%dma_start3A_106 : memref<80xi32, #tpu.memory_space<vmem>>) target_semaphore(%dma_start3A_103 : memref<!tpu.dma_semaphore, #tpu.memory_space<semaphore_mem>>)
    %add3A_108 = arith.constant 240 : i32
    %add3A_109 = arith.addi %add3A_10, %add3A_108 : i32
    %dma_start3A_110 = arith.constant 3 : i32
    %dma_start3A_111 = arith.constant 3 : i32
    %dma_start3A_112 = arith.constant 0 : i32
    %dma_start3A_113 = tpu.memref_slice %arg6[%dma_start3A_110, %dma_start3A_112] : memref<4x80xi32, #tpu.memory_space<vmem>> -> memref<1x80xi32, #tpu.memory_space<vmem>>
    %dma_start3A_114 = tpu.memref_squeeze %dma_start3A_113 : memref<1x80xi32, #tpu.memory_space<vmem>> -> memref<80xi32, #tpu.memory_space<vmem>>
    %dma_start3A_115 = tpu.memref_slice %arg3[%add3A_109] : memref<640000xi32, #tpu.memory_space<hbm>> -> memref<80xi32, #tpu.memory_space<hbm>>
    %dma_start3A_116 = tpu.memref_slice %arg13[%dma_start3A_111] : memref<4x!tpu.dma_semaphore, #tpu.memory_space<semaphore_mem>> -> memref<1x!tpu.dma_semaphore, #tpu.memory_space<semaphore_mem>>
    %dma_start3A_117 = tpu.memref_squeeze %dma_start3A_116 : memref<1x!tpu.dma_semaphore, #tpu.memory_space<semaphore_mem>> -> memref<!tpu.dma_semaphore, #tpu.memory_space<semaphore_mem>>
    %dma_start3A_118 = arith.constant 0 : i32
    %dma_start3A_119 = tpu.memref_slice %arg6[%dma_start3A_110, %dma_start3A_118] : memref<4x80xi32, #tpu.memory_space<vmem>> -> memref<1x80xi32, #tpu.memory_space<vmem>>
    %dma_start3A_120 = tpu.memref_squeeze %dma_start3A_119 : memref<1x80xi32, #tpu.memory_space<vmem>> -> memref<80xi32, #tpu.memory_space<vmem>>
    %dma_start3A_121 = tpu.memref_slice %arg3[%add3A_109] : memref<640000xi32, #tpu.memory_space<hbm>> -> memref<80xi32, #tpu.memory_space<hbm>>
    tpu.enqueue_dma source(%dma_start3A_121 : memref<80xi32, #tpu.memory_space<hbm>>) target(%dma_start3A_120 : memref<80xi32, #tpu.memory_space<vmem>>) target_semaphore(%dma_start3A_117 : memref<!tpu.dma_semaphore, #tpu.memory_space<semaphore_mem>>)
    %broadcast_in_dim3A = arith.constant 0.000000e+00 : f32
    %broadcast_in_dim3A_122 = vector.broadcast %broadcast_in_dim3A : f32 to vector<16xf32>
    %scan3A = arith.constant 0 : i32
    %scan3A_123 = arith.constant 0 : i32
    %scan3A_124 = arith.constant 16 : i32
    %scan3A_125 = arith.addi %scan3A_123, %scan3A_124 : i32
    %scan3A_126 = arith.constant 1 : i32
    scf.for %scan3A_444 = %scan3A_123 to %scan3A_125 step %scan3A_126  : i32 {
      %swap3A = arith.index_cast %scan3A_444 : i32 to index
      %swap3A_445 = arith.constant 0 : index
      %swap3A_446 = tpu.vector_load %arg8[%swap3A, %swap3A_445] {strides = array<i32>} : memref<16x128xf32, #tpu.memory_space<vmem>>, vector<1x16xf32>,
      %swap3A_447 = vector.shape_cast %swap3A_446 : vector<1x16xf32> to vector<16xf32>
      %swap3A_448 = vector.shape_cast %broadcast_in_dim3A_122 : vector<16xf32> to vector<1x16xf32>
      tpu.vector_store %arg8[%swap3A, %swap3A_445], %swap3A_448 {strides = array<i32>} : memref<16x128xf32, #tpu.memory_space<vmem>>, vector<1x16xf32>,
      %swap3A_449 = arith.index_cast %scan3A_444 : i32 to index
      %swap3A_450 = arith.constant 16 : index
      %swap3A_451 = tpu.vector_load %arg8[%swap3A_449, %swap3A_450] {strides = array<i32>} : memref<16x128xf32, #tpu.memory_space<vmem>>, vector<1x16xf32>,
      %swap3A_452 = vector.shape_cast %swap3A_451 : vector<1x16xf32> to vector<16xf32>
      %swap3A_453 = vector.shape_cast %broadcast_in_dim3A_122 : vector<16xf32> to vector<1x16xf32>
      tpu.vector_store %arg8[%swap3A_449, %swap3A_450], %swap3A_453 {strides = array<i32>} : memref<16x128xf32, #tpu.memory_space<vmem>>, vector<1x16xf32>,
      %swap3A_454 = arith.index_cast %scan3A_444 : i32 to index
      %swap3A_455 = arith.constant 32 : index
      %swap3A_456 = tpu.vector_load %arg8[%swap3A_454, %swap3A_455] {strides = array<i32>} : memref<16x128xf32, #tpu.memory_space<vmem>>, vector<1x16xf32>,
      %swap3A_457 = vector.shape_cast %swap3A_456 : vector<1x16xf32> to vector<16xf32>
      %swap3A_458 = vector.shape_cast %broadcast_in_dim3A_122 : vector<16xf32> to vector<1x16xf32>
      tpu.vector_store %arg8[%swap3A_454, %swap3A_455], %swap3A_458 {strides = array<i32>} : memref<16x128xf32, #tpu.memory_space<vmem>>, vector<1x16xf32>,
      %swap3A_459 = arith.index_cast %scan3A_444 : i32 to index
      %swap3A_460 = arith.constant 48 : index
      %swap3A_461 = tpu.vector_load %arg8[%swap3A_459, %swap3A_460] {strides = array<i32>} : memref<16x128xf32, #tpu.memory_space<vmem>>, vector<1x16xf32>,
      %swap3A_462 = vector.shape_cast %swap3A_461 : vector<1x16xf32> to vector<16xf32>
      %swap3A_463 = vector.shape_cast %broadcast_in_dim3A_122 : vector<16xf32> to vector<1x16xf32>
      tpu.vector_store %arg8[%swap3A_459, %swap3A_460], %swap3A_463 {strides = array<i32>} : memref<16x128xf32, #tpu.memory_space<vmem>>, vector<1x16xf32>,
      %swap3A_464 = arith.index_cast %scan3A_444 : i32 to index
      %swap3A_465 = arith.constant 64 : index
      %swap3A_466 = tpu.vector_load %arg8[%swap3A_464, %swap3A_465] {strides = array<i32>} : memref<16x128xf32, #tpu.memory_space<vmem>>, vector<1x16xf32>,
      %swap3A_467 = vector.shape_cast %swap3A_466 : vector<1x16xf32> to vector<16xf32>
      %swap3A_468 = vector.shape_cast %broadcast_in_dim3A_122 : vector<16xf32> to vector<1x16xf32>
      tpu.vector_store %arg8[%swap3A_464, %swap3A_465], %swap3A_468 {strides = array<i32>} : memref<16x128xf32, #tpu.memory_space<vmem>>, vector<1x16xf32>,
      %swap3A_469 = arith.index_cast %scan3A_444 : i32 to index
      %swap3A_470 = arith.constant 80 : index
      %swap3A_471 = tpu.vector_load %arg8[%swap3A_469, %swap3A_470] {strides = array<i32>} : memref<16x128xf32, #tpu.memory_space<vmem>>, vector<1x16xf32>,
      %swap3A_472 = vector.shape_cast %swap3A_471 : vector<1x16xf32> to vector<16xf32>
      %swap3A_473 = vector.shape_cast %broadcast_in_dim3A_122 : vector<16xf32> to vector<1x16xf32>
      tpu.vector_store %arg8[%swap3A_469, %swap3A_470], %swap3A_473 {strides = array<i32>} : memref<16x128xf32, #tpu.memory_space<vmem>>, vector<1x16xf32>,
      %swap3A_474 = arith.index_cast %scan3A_444 : i32 to index
      %swap3A_475 = arith.constant 96 : index
      %swap3A_476 = tpu.vector_load %arg8[%swap3A_474, %swap3A_475] {strides = array<i32>} : memref<16x128xf32, #tpu.memory_space<vmem>>, vector<1x16xf32>,
      %swap3A_477 = vector.shape_cast %swap3A_476 : vector<1x16xf32> to vector<16xf32>
      %swap3A_478 = vector.shape_cast %broadcast_in_dim3A_122 : vector<16xf32> to vector<1x16xf32>
      tpu.vector_store %arg8[%swap3A_474, %swap3A_475], %swap3A_478 {strides = array<i32>} : memref<16x128xf32, #tpu.memory_space<vmem>>, vector<1x16xf32>,
      %swap3A_479 = arith.index_cast %scan3A_444 : i32 to index
      %swap3A_480 = arith.constant 112 : index
      %swap3A_481 = tpu.vector_load %arg8[%swap3A_479, %swap3A_480] {strides = array<i32>} : memref<16x128xf32, #tpu.memory_space<vmem>>, vector<1x16xf32>,
      %swap3A_482 = vector.shape_cast %swap3A_481 : vector<1x16xf32> to vector<16xf32>
      %swap3A_483 = vector.shape_cast %broadcast_in_dim3A_122 : vector<16xf32> to vector<1x16xf32>
      tpu.vector_store %arg8[%swap3A_479, %swap3A_480], %swap3A_483 {strides = array<i32>} : memref<16x128xf32, #tpu.memory_space<vmem>>, vector<1x16xf32>,
    }
    %scan3A_127 = arith.constant 16 : i32
    %mul3A_128 = arith.constant 640 : i32
    %mul3A_129 = arith.muli %arg1, %mul3A_128 : i32
    %add3A_130 = arith.constant 0 : i32
    %add3A_131 = arith.addi %mul3A_129, %add3A_130 : i32
    "tpu.region"() ({
      %run_scoped3A = tpu.sem_alloc : memref<!tpu.dma_semaphore, #tpu.memory_space<semaphore_mem>>
      %dma_start3A_444 = arith.constant 0 : i32
      %dma_start3A_445 = tpu.memref_slice %arg9[%add3A_131, %dma_start3A_444] : memref<10240x128xf32, #tpu.memory_space<vmem_shared>> -> memref<16x128xf32, #tpu.memory_space<vmem_shared>>
      %dma_start3A_446 = arith.constant 0 : i32
      %dma_start3A_447 = tpu.memref_slice %arg9[%add3A_131, %dma_start3A_446] : memref<10240x128xf32, #tpu.memory_space<vmem_shared>> -> memref<16x128xf32, #tpu.memory_space<vmem_shared>>
      tpu.enqueue_dma source(%arg8 : memref<16x128xf32, #tpu.memory_space<vmem>>) target(%dma_start3A_447 : memref<16x128xf32, #tpu.memory_space<vmem_shared>>) target_semaphore(%run_scoped3A : memref<!tpu.dma_semaphore, #tpu.memory_space<semaphore_mem>>)
      %dma_wait3A_448 = arith.constant 0 : i32
      %dma_wait3A_449 = tpu.memref_slice %arg9[%add3A_131, %dma_wait3A_448] : memref<10240x128xf32, #tpu.memory_space<vmem_shared>> -> memref<16x128xf32, #tpu.memory_space<vmem_shared>>
      %dma_wait3A_450 = arith.constant 0 : i32
      %dma_wait3A_451 = tpu.memref_slice %arg9[%add3A_131, %dma_wait3A_450] : memref<10240x128xf32, #tpu.memory_space<vmem_shared>> -> memref<16x128xf32, #tpu.memory_space<vmem_shared>>
      tpu.wait_dma2 semaphore(%run_scoped3A : memref<!tpu.dma_semaphore, #tpu.memory_space<semaphore_mem>>) src(%arg8 : memref<16x128xf32, #tpu.memory_space<vmem>>) dst(%dma_wait3A_451 : memref<16x128xf32, #tpu.memory_space<vmem_shared>>)
      tpu.yield
    }) : () -> ()
    %mul3A_132 = arith.constant 640 : i32
    %mul3A_133 = arith.muli %arg1, %mul3A_132 : i32
    %add3A_134 = arith.constant 16 : i32
    %add3A_135 = arith.addi %mul3A_133, %add3A_134 : i32
    "tpu.region"() ({
      %run_scoped3A = tpu.sem_alloc : memref<!tpu.dma_semaphore, #tpu.memory_space<semaphore_mem>>
      %dma_start3A_444 = arith.constant 0 : i32
      %dma_start3A_445 = tpu.memref_slice %arg9[%add3A_135, %dma_start3A_444] : memref<10240x128xf32, #tpu.memory_space<vmem_shared>> -> memref<16x128xf32, #tpu.memory_space<vmem_shared>>
      %dma_start3A_446 = arith.constant 0 : i32
      %dma_start3A_447 = tpu.memref_slice %arg9[%add3A_135, %dma_start3A_446] : memref<10240x128xf32, #tpu.memory_space<vmem_shared>> -> memref<16x128xf32, #tpu.memory_space<vmem_shared>>
      tpu.enqueue_dma source(%arg8 : memref<16x128xf32, #tpu.memory_space<vmem>>) target(%dma_start3A_447 : memref<16x128xf32, #tpu.memory_space<vmem_shared>>) target_semaphore(%run_scoped3A : memref<!tpu.dma_semaphore, #tpu.memory_space<semaphore_mem>>)
      %dma_wait3A_448 = arith.constant 0 : i32
      %dma_wait3A_449 = tpu.memref_slice %arg9[%add3A_135, %dma_wait3A_448] : memref<10240x128xf32, #tpu.memory_space<vmem_shared>> -> memref<16x128xf32, #tpu.memory_space<vmem_shared>>
      %dma_wait3A_450 = arith.constant 0 : i32
      %dma_wait3A_451 = tpu.memref_slice %arg9[%add3A_135, %dma_wait3A_450] : memref<10240x128xf32, #tpu.memory_space<vmem_shared>> -> memref<16x128xf32, #tpu.memory_space<vmem_shared>>
      tpu.wait_dma2 semaphore(%run_scoped3A : memref<!tpu.dma_semaphore, #tpu.memory_space<semaphore_mem>>) src(%arg8 : memref<16x128xf32, #tpu.memory_space<vmem>>) dst(%dma_wait3A_451 : memref<16x128xf32, #tpu.memory_space<vmem_shared>>)
      tpu.yield
    }) : () -> ()
    %mul3A_136 = arith.constant 640 : i32
    %mul3A_137 = arith.muli %arg1, %mul3A_136 : i32
    %add3A_138 = arith.constant 32 : i32
    %add3A_139 = arith.addi %mul3A_137, %add3A_138 : i32
    "tpu.region"() ({
      %run_scoped3A = tpu.sem_alloc : memref<!tpu.dma_semaphore, #tpu.memory_space<semaphore_mem>>
      %dma_start3A_444 = arith.constant 0 : i32
      %dma_start3A_445 = tpu.memref_slice %arg9[%add3A_139, %dma_start3A_444] : memref<10240x128xf32, #tpu.memory_space<vmem_shared>> -> memref<16x128xf32, #tpu.memory_space<vmem_shared>>
      %dma_start3A_446 = arith.constant 0 : i32
      %dma_start3A_447 = tpu.memref_slice %arg9[%add3A_139, %dma_start3A_446] : memref<10240x128xf32, #tpu.memory_space<vmem_shared>> -> memref<16x128xf32, #tpu.memory_space<vmem_shared>>
      tpu.enqueue_dma source(%arg8 : memref<16x128xf32, #tpu.memory_space<vmem>>) target(%dma_start3A_447 : memref<16x128xf32, #tpu.memory_space<vmem_shared>>) target_semaphore(%run_scoped3A : memref<!tpu.dma_semaphore, #tpu.memory_space<semaphore_mem>>)
      %dma_wait3A_448 = arith.constant 0 : i32
      %dma_wait3A_449 = tpu.memref_slice %arg9[%add3A_139, %dma_wait3A_448] : memref<10240x128xf32, #tpu.memory_space<vmem_shared>> -> memref<16x128xf32, #tpu.memory_space<vmem_shared>>
      %dma_wait3A_450 = arith.constant 0 : i32
      %dma_wait3A_451 = tpu.memref_slice %arg9[%add3A_139, %dma_wait3A_450] : memref<10240x128xf32, #tpu.memory_space<vmem_shared>> -> memref<16x128xf32, #tpu.memory_space<vmem_shared>>
      tpu.wait_dma2 semaphore(%run_scoped3A : memref<!tpu.dma_semaphore, #tpu.memory_space<semaphore_mem>>) src(%arg8 : memref<16x128xf32, #tpu.memory_space<vmem>>) dst(%dma_wait3A_451 : memref<16x128xf32, #tpu.memory_space<vmem_shared>>)
      tpu.yield
    }) : () -> ()
    %mul3A_140 = arith.constant 640 : i32
    %mul3A_141 = arith.muli %arg1, %mul3A_140 : i32
    %add3A_142 = arith.constant 48 : i32
    %add3A_143 = arith.addi %mul3A_141, %add3A_142 : i32
    "tpu.region"() ({
      %run_scoped3A = tpu.sem_alloc : memref<!tpu.dma_semaphore, #tpu.memory_space<semaphore_mem>>
      %dma_start3A_444 = arith.constant 0 : i32
      %dma_start3A_445 = tpu.memref_slice %arg9[%add3A_143, %dma_start3A_444] : memref<10240x128xf32, #tpu.memory_space<vmem_shared>> -> memref<16x128xf32, #tpu.memory_space<vmem_shared>>
      %dma_start3A_446 = arith.constant 0 : i32
      %dma_start3A_447 = tpu.memref_slice %arg9[%add3A_143, %dma_start3A_446] : memref<10240x128xf32, #tpu.memory_space<vmem_shared>> -> memref<16x128xf32, #tpu.memory_space<vmem_shared>>
      tpu.enqueue_dma source(%arg8 : memref<16x128xf32, #tpu.memory_space<vmem>>) target(%dma_start3A_447 : memref<16x128xf32, #tpu.memory_space<vmem_shared>>) target_semaphore(%run_scoped3A : memref<!tpu.dma_semaphore, #tpu.memory_space<semaphore_mem>>)
      %dma_wait3A_448 = arith.constant 0 : i32
      %dma_wait3A_449 = tpu.memref_slice %arg9[%add3A_143, %dma_wait3A_448] : memref<10240x128xf32, #tpu.memory_space<vmem_shared>> -> memref<16x128xf32, #tpu.memory_space<vmem_shared>>
      %dma_wait3A_450 = arith.constant 0 : i32
      %dma_wait3A_451 = tpu.memref_slice %arg9[%add3A_143, %dma_wait3A_450] : memref<10240x128xf32, #tpu.memory_space<vmem_shared>> -> memref<16x128xf32, #tpu.memory_space<vmem_shared>>
      tpu.wait_dma2 semaphore(%run_scoped3A : memref<!tpu.dma_semaphore, #tpu.memory_space<semaphore_mem>>) src(%arg8 : memref<16x128xf32, #tpu.memory_space<vmem>>) dst(%dma_wait3A_451 : memref<16x128xf32, #tpu.memory_space<vmem_shared>>)
      tpu.yield
    }) : () -> ()
    %mul3A_144 = arith.constant 640 : i32
    %mul3A_145 = arith.muli %arg1, %mul3A_144 : i32
    %add3A_146 = arith.constant 64 : i32
    %add3A_147 = arith.addi %mul3A_145, %add3A_146 : i32
    "tpu.region"() ({
      %run_scoped3A = tpu.sem_alloc : memref<!tpu.dma_semaphore, #tpu.memory_space<semaphore_mem>>
      %dma_start3A_444 = arith.constant 0 : i32
      %dma_start3A_445 = tpu.memref_slice %arg9[%add3A_147, %dma_start3A_444] : memref<10240x128xf32, #tpu.memory_space<vmem_shared>> -> memref<16x128xf32, #tpu.memory_space<vmem_shared>>
      %dma_start3A_446 = arith.constant 0 : i32
      %dma_start3A_447 = tpu.memref_slice %arg9[%add3A_147, %dma_start3A_446] : memref<10240x128xf32, #tpu.memory_space<vmem_shared>> -> memref<16x128xf32, #tpu.memory_space<vmem_shared>>
      tpu.enqueue_dma source(%arg8 : memref<16x128xf32, #tpu.memory_space<vmem>>) target(%dma_start3A_447 : memref<16x128xf32, #tpu.memory_space<vmem_shared>>) target_semaphore(%run_scoped3A : memref<!tpu.dma_semaphore, #tpu.memory_space<semaphore_mem>>)
      %dma_wait3A_448 = arith.constant 0 : i32
      %dma_wait3A_449 = tpu.memref_slice %arg9[%add3A_147, %dma_wait3A_448] : memref<10240x128xf32, #tpu.memory_space<vmem_shared>> -> memref<16x128xf32, #tpu.memory_space<vmem_shared>>
      %dma_wait3A_450 = arith.constant 0 : i32
      %dma_wait3A_451 = tpu.memref_slice %arg9[%add3A_147, %dma_wait3A_450] : memref<10240x128xf32, #tpu.memory_space<vmem_shared>> -> memref<16x128xf32, #tpu.memory_space<vmem_shared>>
      tpu.wait_dma2 semaphore(%run_scoped3A : memref<!tpu.dma_semaphore, #tpu.memory_space<semaphore_mem>>) src(%arg8 : memref<16x128xf32, #tpu.memory_space<vmem>>) dst(%dma_wait3A_451 : memref<16x128xf32, #tpu.memory_space<vmem_shared>>)
      tpu.yield
    }) : () -> ()
    %mul3A_148 = arith.constant 640 : i32
    %mul3A_149 = arith.muli %arg1, %mul3A_148 : i32
    %add3A_150 = arith.constant 80 : i32
    %add3A_151 = arith.addi %mul3A_149, %add3A_150 : i32
    "tpu.region"() ({
      %run_scoped3A = tpu.sem_alloc : memref<!tpu.dma_semaphore, #tpu.memory_space<semaphore_mem>>
      %dma_start3A_444 = arith.constant 0 : i32
      %dma_start3A_445 = tpu.memref_slice %arg9[%add3A_151, %dma_start3A_444] : memref<10240x128xf32, #tpu.memory_space<vmem_shared>> -> memref<16x128xf32, #tpu.memory_space<vmem_shared>>
      %dma_start3A_446 = arith.constant 0 : i32
      %dma_start3A_447 = tpu.memref_slice %arg9[%add3A_151, %dma_start3A_446] : memref<10240x128xf32, #tpu.memory_space<vmem_shared>> -> memref<16x128xf32, #tpu.memory_space<vmem_shared>>
      tpu.enqueue_dma source(%arg8 : memref<16x128xf32, #tpu.memory_space<vmem>>) target(%dma_start3A_447 : memref<16x128xf32, #tpu.memory_space<vmem_shared>>) target_semaphore(%run_scoped3A : memref<!tpu.dma_semaphore, #tpu.memory_space<semaphore_mem>>)
      %dma_wait3A_448 = arith.constant 0 : i32
      %dma_wait3A_449 = tpu.memref_slice %arg9[%add3A_151, %dma_wait3A_448] : memref<10240x128xf32, #tpu.memory_space<vmem_shared>> -> memref<16x128xf32, #tpu.memory_space<vmem_shared>>
      %dma_wait3A_450 = arith.constant 0 : i32
      %dma_wait3A_451 = tpu.memref_slice %arg9[%add3A_151, %dma_wait3A_450] : memref<10240x128xf32, #tpu.memory_space<vmem_shared>> -> memref<16x128xf32, #tpu.memory_space<vmem_shared>>
      tpu.wait_dma2 semaphore(%run_scoped3A : memref<!tpu.dma_semaphore, #tpu.memory_space<semaphore_mem>>) src(%arg8 : memref<16x128xf32, #tpu.memory_space<vmem>>) dst(%dma_wait3A_451 : memref<16x128xf32, #tpu.memory_space<vmem_shared>>)
      tpu.yield
    }) : () -> ()
    %mul3A_152 = arith.constant 640 : i32
    %mul3A_153 = arith.muli %arg1, %mul3A_152 : i32
    %add3A_154 = arith.constant 96 : i32
    %add3A_155 = arith.addi %mul3A_153, %add3A_154 : i32
    "tpu.region"() ({
      %run_scoped3A = tpu.sem_alloc : memref<!tpu.dma_semaphore, #tpu.memory_space<semaphore_mem>>
      %dma_start3A_444 = arith.constant 0 : i32
      %dma_start3A_445 = tpu.memref_slice %arg9[%add3A_155, %dma_start3A_444] : memref<10240x128xf32, #tpu.memory_space<vmem_shared>> -> memref<16x128xf32, #tpu.memory_space<vmem_shared>>
      %dma_start3A_446 = arith.constant 0 : i32
      %dma_start3A_447 = tpu.memref_slice %arg9[%add3A_155, %dma_start3A_446] : memref<10240x128xf32, #tpu.memory_space<vmem_shared>> -> memref<16x128xf32, #tpu.memory_space<vmem_shared>>
      tpu.enqueue_dma source(%arg8 : memref<16x128xf32, #tpu.memory_space<vmem>>) target(%dma_start3A_447 : memref<16x128xf32, #tpu.memory_space<vmem_shared>>) target_semaphore(%run_scoped3A : memref<!tpu.dma_semaphore, #tpu.memory_space<semaphore_mem>>)
      %dma_wait3A_448 = arith.constant 0 : i32
      %dma_wait3A_449 = tpu.memref_slice %arg9[%add3A_155, %dma_wait3A_448] : memref<10240x128xf32, #tpu.memory_space<vmem_shared>> -> memref<16x128xf32, #tpu.memory_space<vmem_shared>>
      %dma_wait3A_450 = arith.constant 0 : i32
      %dma_wait3A_451 = tpu.memref_slice %arg9[%add3A_155, %dma_wait3A_450] : memref<10240x128xf32, #tpu.memory_space<vmem_shared>> -> memref<16x128xf32, #tpu.memory_space<vmem_shared>>
      tpu.wait_dma2 semaphore(%run_scoped3A : memref<!tpu.dma_semaphore, #tpu.memory_space<semaphore_mem>>) src(%arg8 : memref<16x128xf32, #tpu.memory_space<vmem>>) dst(%dma_wait3A_451 : memref<16x128xf32, #tpu.memory_space<vmem_shared>>)
      tpu.yield
    }) : () -> ()
    %mul3A_156 = arith.constant 640 : i32
    %mul3A_157 = arith.muli %arg1, %mul3A_156 : i32
    %add3A_158 = arith.constant 112 : i32
    %add3A_159 = arith.addi %mul3A_157, %add3A_158 : i32
    "tpu.region"() ({
      %run_scoped3A = tpu.sem_alloc : memref<!tpu.dma_semaphore, #tpu.memory_space<semaphore_mem>>
      %dma_start3A_444 = arith.constant 0 : i32
      %dma_start3A_445 = tpu.memref_slice %arg9[%add3A_159, %dma_start3A_444] : memref<10240x128xf32, #tpu.memory_space<vmem_shared>> -> memref<16x128xf32, #tpu.memory_space<vmem_shared>>
      %dma_start3A_446 = arith.constant 0 : i32
      %dma_start3A_447 = tpu.memref_slice %arg9[%add3A_159, %dma_start3A_446] : memref<10240x128xf32, #tpu.memory_space<vmem_shared>> -> memref<16x128xf32, #tpu.memory_space<vmem_shared>>
      tpu.enqueue_dma source(%arg8 : memref<16x128xf32, #tpu.memory_space<vmem>>) target(%dma_start3A_447 : memref<16x128xf32, #tpu.memory_space<vmem_shared>>) target_semaphore(%run_scoped3A : memref<!tpu.dma_semaphore, #tpu.memory_space<semaphore_mem>>)
      %dma_wait3A_448 = arith.constant 0 : i32
      %dma_wait3A_449 = tpu.memref_slice %arg9[%add3A_159, %dma_wait3A_448] : memref<10240x128xf32, #tpu.memory_space<vmem_shared>> -> memref<16x128xf32, #tpu.memory_space<vmem_shared>>
      %dma_wait3A_450 = arith.constant 0 : i32
      %dma_wait3A_451 = tpu.memref_slice %arg9[%add3A_159, %dma_wait3A_450] : memref<10240x128xf32, #tpu.memory_space<vmem_shared>> -> memref<16x128xf32, #tpu.memory_space<vmem_shared>>
      tpu.wait_dma2 semaphore(%run_scoped3A : memref<!tpu.dma_semaphore, #tpu.memory_space<semaphore_mem>>) src(%arg8 : memref<16x128xf32, #tpu.memory_space<vmem>>) dst(%dma_wait3A_451 : memref<16x128xf32, #tpu.memory_space<vmem_shared>>)
      tpu.yield
    }) : () -> ()
    %mul3A_160 = arith.constant 640 : i32
    %mul3A_161 = arith.muli %arg1, %mul3A_160 : i32
    %add3A_162 = arith.constant 128 : i32
    %add3A_163 = arith.addi %mul3A_161, %add3A_162 : i32
    "tpu.region"() ({
      %run_scoped3A = tpu.sem_alloc : memref<!tpu.dma_semaphore, #tpu.memory_space<semaphore_mem>>
      %dma_start3A_444 = arith.constant 0 : i32
      %dma_start3A_445 = tpu.memref_slice %arg9[%add3A_163, %dma_start3A_444] : memref<10240x128xf32, #tpu.memory_space<vmem_shared>> -> memref<16x128xf32, #tpu.memory_space<vmem_shared>>
      %dma_start3A_446 = arith.constant 0 : i32
      %dma_start3A_447 = tpu.memref_slice %arg9[%add3A_163, %dma_start3A_446] : memref<10240x128xf32, #tpu.memory_space<vmem_shared>> -> memref<16x128xf32, #tpu.memory_space<vmem_shared>>
      tpu.enqueue_dma source(%arg8 : memref<16x128xf32, #tpu.memory_space<vmem>>) target(%dma_start3A_447 : memref<16x128xf32, #tpu.memory_space<vmem_shared>>) target_semaphore(%run_scoped3A : memref<!tpu.dma_semaphore, #tpu.memory_space<semaphore_mem>>)
      %dma_wait3A_448 = arith.constant 0 : i32
      %dma_wait3A_449 = tpu.memref_slice %arg9[%add3A_163, %dma_wait3A_448] : memref<10240x128xf32, #tpu.memory_space<vmem_shared>> -> memref<16x128xf32, #tpu.memory_space<vmem_shared>>
      %dma_wait3A_450 = arith.constant 0 : i32
      %dma_wait3A_451 = tpu.memref_slice %arg9[%add3A_163, %dma_wait3A_450] : memref<10240x128xf32, #tpu.memory_space<vmem_shared>> -> memref<16x128xf32, #tpu.memory_space<vmem_shared>>
      tpu.wait_dma2 semaphore(%run_scoped3A : memref<!tpu.dma_semaphore, #tpu.memory_space<semaphore_mem>>) src(%arg8 : memref<16x128xf32, #tpu.memory_space<vmem>>) dst(%dma_wait3A_451 : memref<16x128xf32, #tpu.memory_space<vmem_shared>>)
      tpu.yield
    }) : () -> ()
    %mul3A_164 = arith.constant 640 : i32
    %mul3A_165 = arith.muli %arg1, %mul3A_164 : i32
    %add3A_166 = arith.constant 144 : i32
    %add3A_167 = arith.addi %mul3A_165, %add3A_166 : i32
    "tpu.region"() ({
      %run_scoped3A = tpu.sem_alloc : memref<!tpu.dma_semaphore, #tpu.memory_space<semaphore_mem>>
      %dma_start3A_444 = arith.constant 0 : i32
      %dma_start3A_445 = tpu.memref_slice %arg9[%add3A_167, %dma_start3A_444] : memref<10240x128xf32, #tpu.memory_space<vmem_shared>> -> memref<16x128xf32, #tpu.memory_space<vmem_shared>>
      %dma_start3A_446 = arith.constant 0 : i32
      %dma_start3A_447 = tpu.memref_slice %arg9[%add3A_167, %dma_start3A_446] : memref<10240x128xf32, #tpu.memory_space<vmem_shared>> -> memref<16x128xf32, #tpu.memory_space<vmem_shared>>
      tpu.enqueue_dma source(%arg8 : memref<16x128xf32, #tpu.memory_space<vmem>>) target(%dma_start3A_447 : memref<16x128xf32, #tpu.memory_space<vmem_shared>>) target_semaphore(%run_scoped3A : memref<!tpu.dma_semaphore, #tpu.memory_space<semaphore_mem>>)
      %dma_wait3A_448 = arith.constant 0 : i32
      %dma_wait3A_449 = tpu.memref_slice %arg9[%add3A_167, %dma_wait3A_448] : memref<10240x128xf32, #tpu.memory_space<vmem_shared>> -> memref<16x128xf32, #tpu.memory_space<vmem_shared>>
      %dma_wait3A_450 = arith.constant 0 : i32
      %dma_wait3A_451 = tpu.memref_slice %arg9[%add3A_167, %dma_wait3A_450] : memref<10240x128xf32, #tpu.memory_space<vmem_shared>> -> memref<16x128xf32, #tpu.memory_space<vmem_shared>>
      tpu.wait_dma2 semaphore(%run_scoped3A : memref<!tpu.dma_semaphore, #tpu.memory_space<semaphore_mem>>) src(%arg8 : memref<16x128xf32, #tpu.memory_space<vmem>>) dst(%dma_wait3A_451 : memref<16x128xf32, #tpu.memory_space<vmem_shared>>)
      tpu.yield
    }) : () -> ()
    %mul3A_168 = arith.constant 640 : i32
    %mul3A_169 = arith.muli %arg1, %mul3A_168 : i32
    %add3A_170 = arith.constant 160 : i32
    %add3A_171 = arith.addi %mul3A_169, %add3A_170 : i32
    "tpu.region"() ({
      %run_scoped3A = tpu.sem_alloc : memref<!tpu.dma_semaphore, #tpu.memory_space<semaphore_mem>>
      %dma_start3A_444 = arith.constant 0 : i32
      %dma_start3A_445 = tpu.memref_slice %arg9[%add3A_171, %dma_start3A_444] : memref<10240x128xf32, #tpu.memory_space<vmem_shared>> -> memref<16x128xf32, #tpu.memory_space<vmem_shared>>
      %dma_start3A_446 = arith.constant 0 : i32
      %dma_start3A_447 = tpu.memref_slice %arg9[%add3A_171, %dma_start3A_446] : memref<10240x128xf32, #tpu.memory_space<vmem_shared>> -> memref<16x128xf32, #tpu.memory_space<vmem_shared>>
      tpu.enqueue_dma source(%arg8 : memref<16x128xf32, #tpu.memory_space<vmem>>) target(%dma_start3A_447 : memref<16x128xf32, #tpu.memory_space<vmem_shared>>) target_semaphore(%run_scoped3A : memref<!tpu.dma_semaphore, #tpu.memory_space<semaphore_mem>>)
      %dma_wait3A_448 = arith.constant 0 : i32
      %dma_wait3A_449 = tpu.memref_slice %arg9[%add3A_171, %dma_wait3A_448] : memref<10240x128xf32, #tpu.memory_space<vmem_shared>> -> memref<16x128xf32, #tpu.memory_space<vmem_shared>>
      %dma_wait3A_450 = arith.constant 0 : i32
      %dma_wait3A_451 = tpu.memref_slice %arg9[%add3A_171, %dma_wait3A_450] : memref<10240x128xf32, #tpu.memory_space<vmem_shared>> -> memref<16x128xf32, #tpu.memory_space<vmem_shared>>
      tpu.wait_dma2 semaphore(%run_scoped3A : memref<!tpu.dma_semaphore, #tpu.memory_space<semaphore_mem>>) src(%arg8 : memref<16x128xf32, #tpu.memory_space<vmem>>) dst(%dma_wait3A_451 : memref<16x128xf32, #tpu.memory_space<vmem_shared>>)
      tpu.yield
    }) : () -> ()
    %mul3A_172 = arith.constant 640 : i32
    %mul3A_173 = arith.muli %arg1, %mul3A_172 : i32
    %add3A_174 = arith.constant 176 : i32
    %add3A_175 = arith.addi %mul3A_173, %add3A_174 : i32
    "tpu.region"() ({
      %run_scoped3A = tpu.sem_alloc : memref<!tpu.dma_semaphore, #tpu.memory_space<semaphore_mem>>
      %dma_start3A_444 = arith.constant 0 : i32
      %dma_start3A_445 = tpu.memref_slice %arg9[%add3A_175, %dma_start3A_444] : memref<10240x128xf32, #tpu.memory_space<vmem_shared>> -> memref<16x128xf32, #tpu.memory_space<vmem_shared>>
      %dma_start3A_446 = arith.constant 0 : i32
      %dma_start3A_447 = tpu.memref_slice %arg9[%add3A_175, %dma_start3A_446] : memref<10240x128xf32, #tpu.memory_space<vmem_shared>> -> memref<16x128xf32, #tpu.memory_space<vmem_shared>>
      tpu.enqueue_dma source(%arg8 : memref<16x128xf32, #tpu.memory_space<vmem>>) target(%dma_start3A_447 : memref<16x128xf32, #tpu.memory_space<vmem_shared>>) target_semaphore(%run_scoped3A : memref<!tpu.dma_semaphore, #tpu.memory_space<semaphore_mem>>)
      %dma_wait3A_448 = arith.constant 0 : i32
      %dma_wait3A_449 = tpu.memref_slice %arg9[%add3A_175, %dma_wait3A_448] : memref<10240x128xf32, #tpu.memory_space<vmem_shared>> -> memref<16x128xf32, #tpu.memory_space<vmem_shared>>
      %dma_wait3A_450 = arith.constant 0 : i32
      %dma_wait3A_451 = tpu.memref_slice %arg9[%add3A_175, %dma_wait3A_450] : memref<10240x128xf32, #tpu.memory_space<vmem_shared>> -> memref<16x128xf32, #tpu.memory_space<vmem_shared>>
      tpu.wait_dma2 semaphore(%run_scoped3A : memref<!tpu.dma_semaphore, #tpu.memory_space<semaphore_mem>>) src(%arg8 : memref<16x128xf32, #tpu.memory_space<vmem>>) dst(%dma_wait3A_451 : memref<16x128xf32, #tpu.memory_space<vmem_shared>>)
      tpu.yield
    }) : () -> ()
    %mul3A_176 = arith.constant 640 : i32
    %mul3A_177 = arith.muli %arg1, %mul3A_176 : i32
    %add3A_178 = arith.constant 192 : i32
    %add3A_179 = arith.addi %mul3A_177, %add3A_178 : i32
    "tpu.region"() ({
      %run_scoped3A = tpu.sem_alloc : memref<!tpu.dma_semaphore, #tpu.memory_space<semaphore_mem>>
      %dma_start3A_444 = arith.constant 0 : i32
      %dma_start3A_445 = tpu.memref_slice %arg9[%add3A_179, %dma_start3A_444] : memref<10240x128xf32, #tpu.memory_space<vmem_shared>> -> memref<16x128xf32, #tpu.memory_space<vmem_shared>>
      %dma_start3A_446 = arith.constant 0 : i32
      %dma_start3A_447 = tpu.memref_slice %arg9[%add3A_179, %dma_start3A_446] : memref<10240x128xf32, #tpu.memory_space<vmem_shared>> -> memref<16x128xf32, #tpu.memory_space<vmem_shared>>
      tpu.enqueue_dma source(%arg8 : memref<16x128xf32, #tpu.memory_space<vmem>>) target(%dma_start3A_447 : memref<16x128xf32, #tpu.memory_space<vmem_shared>>) target_semaphore(%run_scoped3A : memref<!tpu.dma_semaphore, #tpu.memory_space<semaphore_mem>>)
      %dma_wait3A_448 = arith.constant 0 : i32
      %dma_wait3A_449 = tpu.memref_slice %arg9[%add3A_179, %dma_wait3A_448] : memref<10240x128xf32, #tpu.memory_space<vmem_shared>> -> memref<16x128xf32, #tpu.memory_space<vmem_shared>>
      %dma_wait3A_450 = arith.constant 0 : i32
      %dma_wait3A_451 = tpu.memref_slice %arg9[%add3A_179, %dma_wait3A_450] : memref<10240x128xf32, #tpu.memory_space<vmem_shared>> -> memref<16x128xf32, #tpu.memory_space<vmem_shared>>
      tpu.wait_dma2 semaphore(%run_scoped3A : memref<!tpu.dma_semaphore, #tpu.memory_space<semaphore_mem>>) src(%arg8 : memref<16x128xf32, #tpu.memory_space<vmem>>) dst(%dma_wait3A_451 : memref<16x128xf32, #tpu.memory_space<vmem_shared>>)
      tpu.yield
    }) : () -> ()
    %mul3A_180 = arith.constant 640 : i32
    %mul3A_181 = arith.muli %arg1, %mul3A_180 : i32
    %add3A_182 = arith.constant 208 : i32
    %add3A_183 = arith.addi %mul3A_181, %add3A_182 : i32
    "tpu.region"() ({
      %run_scoped3A = tpu.sem_alloc : memref<!tpu.dma_semaphore, #tpu.memory_space<semaphore_mem>>
      %dma_start3A_444 = arith.constant 0 : i32
      %dma_start3A_445 = tpu.memref_slice %arg9[%add3A_183, %dma_start3A_444] : memref<10240x128xf32, #tpu.memory_space<vmem_shared>> -> memref<16x128xf32, #tpu.memory_space<vmem_shared>>
      %dma_start3A_446 = arith.constant 0 : i32
      %dma_start3A_447 = tpu.memref_slice %arg9[%add3A_183, %dma_start3A_446] : memref<10240x128xf32, #tpu.memory_space<vmem_shared>> -> memref<16x128xf32, #tpu.memory_space<vmem_shared>>
      tpu.enqueue_dma source(%arg8 : memref<16x128xf32, #tpu.memory_space<vmem>>) target(%dma_start3A_447 : memref<16x128xf32, #tpu.memory_space<vmem_shared>>) target_semaphore(%run_scoped3A : memref<!tpu.dma_semaphore, #tpu.memory_space<semaphore_mem>>)
      %dma_wait3A_448 = arith.constant 0 : i32
      %dma_wait3A_449 = tpu.memref_slice %arg9[%add3A_183, %dma_wait3A_448] : memref<10240x128xf32, #tpu.memory_space<vmem_shared>> -> memref<16x128xf32, #tpu.memory_space<vmem_shared>>
      %dma_wait3A_450 = arith.constant 0 : i32
      %dma_wait3A_451 = tpu.memref_slice %arg9[%add3A_183, %dma_wait3A_450] : memref<10240x128xf32, #tpu.memory_space<vmem_shared>> -> memref<16x128xf32, #tpu.memory_space<vmem_shared>>
      tpu.wait_dma2 semaphore(%run_scoped3A : memref<!tpu.dma_semaphore, #tpu.memory_space<semaphore_mem>>) src(%arg8 : memref<16x128xf32, #tpu.memory_space<vmem>>) dst(%dma_wait3A_451 : memref<16x128xf32, #tpu.memory_space<vmem_shared>>)
      tpu.yield
    }) : () -> ()
    %mul3A_184 = arith.constant 640 : i32
    %mul3A_185 = arith.muli %arg1, %mul3A_184 : i32
    %add3A_186 = arith.constant 224 : i32
    %add3A_187 = arith.addi %mul3A_185, %add3A_186 : i32
    "tpu.region"() ({
      %run_scoped3A = tpu.sem_alloc : memref<!tpu.dma_semaphore, #tpu.memory_space<semaphore_mem>>
      %dma_start3A_444 = arith.constant 0 : i32
      %dma_start3A_445 = tpu.memref_slice %arg9[%add3A_187, %dma_start3A_444] : memref<10240x128xf32, #tpu.memory_space<vmem_shared>> -> memref<16x128xf32, #tpu.memory_space<vmem_shared>>
      %dma_start3A_446 = arith.constant 0 : i32
      %dma_start3A_447 = tpu.memref_slice %arg9[%add3A_187, %dma_start3A_446] : memref<10240x128xf32, #tpu.memory_space<vmem_shared>> -> memref<16x128xf32, #tpu.memory_space<vmem_shared>>
      tpu.enqueue_dma source(%arg8 : memref<16x128xf32, #tpu.memory_space<vmem>>) target(%dma_start3A_447 : memref<16x128xf32, #tpu.memory_space<vmem_shared>>) target_semaphore(%run_scoped3A : memref<!tpu.dma_semaphore, #tpu.memory_space<semaphore_mem>>)
      %dma_wait3A_448 = arith.constant 0 : i32
      %dma_wait3A_449 = tpu.memref_slice %arg9[%add3A_187, %dma_wait3A_448] : memref<10240x128xf32, #tpu.memory_space<vmem_shared>> -> memref<16x128xf32, #tpu.memory_space<vmem_shared>>
      %dma_wait3A_450 = arith.constant 0 : i32
      %dma_wait3A_451 = tpu.memref_slice %arg9[%add3A_187, %dma_wait3A_450] : memref<10240x128xf32, #tpu.memory_space<vmem_shared>> -> memref<16x128xf32, #tpu.memory_space<vmem_shared>>
      tpu.wait_dma2 semaphore(%run_scoped3A : memref<!tpu.dma_semaphore, #tpu.memory_space<semaphore_mem>>) src(%arg8 : memref<16x128xf32, #tpu.memory_space<vmem>>) dst(%dma_wait3A_451 : memref<16x128xf32, #tpu.memory_space<vmem_shared>>)
      tpu.yield
    }) : () -> ()
    %mul3A_188 = arith.constant 640 : i32
    %mul3A_189 = arith.muli %arg1, %mul3A_188 : i32
    %add3A_190 = arith.constant 240 : i32
    %add3A_191 = arith.addi %mul3A_189, %add3A_190 : i32
    "tpu.region"() ({
      %run_scoped3A = tpu.sem_alloc : memref<!tpu.dma_semaphore, #tpu.memory_space<semaphore_mem>>
      %dma_start3A_444 = arith.constant 0 : i32
      %dma_start3A_445 = tpu.memref_slice %arg9[%add3A_191, %dma_start3A_444] : memref<10240x128xf32, #tpu.memory_space<vmem_shared>> -> memref<16x128xf32, #tpu.memory_space<vmem_shared>>
      %dma_start3A_446 = arith.constant 0 : i32
      %dma_start3A_447 = tpu.memref_slice %arg9[%add3A_191, %dma_start3A_446] : memref<10240x128xf32, #tpu.memory_space<vmem_shared>> -> memref<16x128xf32, #tpu.memory_space<vmem_shared>>
      tpu.enqueue_dma source(%arg8 : memref<16x128xf32, #tpu.memory_space<vmem>>) target(%dma_start3A_447 : memref<16x128xf32, #tpu.memory_space<vmem_shared>>) target_semaphore(%run_scoped3A : memref<!tpu.dma_semaphore, #tpu.memory_space<semaphore_mem>>)
      %dma_wait3A_448 = arith.constant 0 : i32
      %dma_wait3A_449 = tpu.memref_slice %arg9[%add3A_191, %dma_wait3A_448] : memref<10240x128xf32, #tpu.memory_space<vmem_shared>> -> memref<16x128xf32, #tpu.memory_space<vmem_shared>>
      %dma_wait3A_450 = arith.constant 0 : i32
      %dma_wait3A_451 = tpu.memref_slice %arg9[%add3A_191, %dma_wait3A_450] : memref<10240x128xf32, #tpu.memory_space<vmem_shared>> -> memref<16x128xf32, #tpu.memory_space<vmem_shared>>
      tpu.wait_dma2 semaphore(%run_scoped3A : memref<!tpu.dma_semaphore, #tpu.memory_space<semaphore_mem>>) src(%arg8 : memref<16x128xf32, #tpu.memory_space<vmem>>) dst(%dma_wait3A_451 : memref<16x128xf32, #tpu.memory_space<vmem_shared>>)
      tpu.yield
    }) : () -> ()
    %mul3A_192 = arith.constant 640 : i32
    %mul3A_193 = arith.muli %arg1, %mul3A_192 : i32
    %add3A_194 = arith.constant 256 : i32
    %add3A_195 = arith.addi %mul3A_193, %add3A_194 : i32
    "tpu.region"() ({
      %run_scoped3A = tpu.sem_alloc : memref<!tpu.dma_semaphore, #tpu.memory_space<semaphore_mem>>
      %dma_start3A_444 = arith.constant 0 : i32
      %dma_start3A_445 = tpu.memref_slice %arg9[%add3A_195, %dma_start3A_444] : memref<10240x128xf32, #tpu.memory_space<vmem_shared>> -> memref<16x128xf32, #tpu.memory_space<vmem_shared>>
      %dma_start3A_446 = arith.constant 0 : i32
      %dma_start3A_447 = tpu.memref_slice %arg9[%add3A_195, %dma_start3A_446] : memref<10240x128xf32, #tpu.memory_space<vmem_shared>> -> memref<16x128xf32, #tpu.memory_space<vmem_shared>>
      tpu.enqueue_dma source(%arg8 : memref<16x128xf32, #tpu.memory_space<vmem>>) target(%dma_start3A_447 : memref<16x128xf32, #tpu.memory_space<vmem_shared>>) target_semaphore(%run_scoped3A : memref<!tpu.dma_semaphore, #tpu.memory_space<semaphore_mem>>)
      %dma_wait3A_448 = arith.constant 0 : i32
      %dma_wait3A_449 = tpu.memref_slice %arg9[%add3A_195, %dma_wait3A_448] : memref<10240x128xf32, #tpu.memory_space<vmem_shared>> -> memref<16x128xf32, #tpu.memory_space<vmem_shared>>
      %dma_wait3A_450 = arith.constant 0 : i32
      %dma_wait3A_451 = tpu.memref_slice %arg9[%add3A_195, %dma_wait3A_450] : memref<10240x128xf32, #tpu.memory_space<vmem_shared>> -> memref<16x128xf32, #tpu.memory_space<vmem_shared>>
      tpu.wait_dma2 semaphore(%run_scoped3A : memref<!tpu.dma_semaphore, #tpu.memory_space<semaphore_mem>>) src(%arg8 : memref<16x128xf32, #tpu.memory_space<vmem>>) dst(%dma_wait3A_451 : memref<16x128xf32, #tpu.memory_space<vmem_shared>>)
      tpu.yield
    }) : () -> ()
    %mul3A_196 = arith.constant 640 : i32
    %mul3A_197 = arith.muli %arg1, %mul3A_196 : i32
    %add3A_198 = arith.constant 272 : i32
    %add3A_199 = arith.addi %mul3A_197, %add3A_198 : i32
    "tpu.region"() ({
      %run_scoped3A = tpu.sem_alloc : memref<!tpu.dma_semaphore, #tpu.memory_space<semaphore_mem>>
      %dma_start3A_444 = arith.constant 0 : i32
      %dma_start3A_445 = tpu.memref_slice %arg9[%add3A_199, %dma_start3A_444] : memref<10240x128xf32, #tpu.memory_space<vmem_shared>> -> memref<16x128xf32, #tpu.memory_space<vmem_shared>>
      %dma_start3A_446 = arith.constant 0 : i32
      %dma_start3A_447 = tpu.memref_slice %arg9[%add3A_199, %dma_start3A_446] : memref<10240x128xf32, #tpu.memory_space<vmem_shared>> -> memref<16x128xf32, #tpu.memory_space<vmem_shared>>
      tpu.enqueue_dma source(%arg8 : memref<16x128xf32, #tpu.memory_space<vmem>>) target(%dma_start3A_447 : memref<16x128xf32, #tpu.memory_space<vmem_shared>>) target_semaphore(%run_scoped3A : memref<!tpu.dma_semaphore, #tpu.memory_space<semaphore_mem>>)
      %dma_wait3A_448 = arith.constant 0 : i32
      %dma_wait3A_449 = tpu.memref_slice %arg9[%add3A_199, %dma_wait3A_448] : memref<10240x128xf32, #tpu.memory_space<vmem_shared>> -> memref<16x128xf32, #tpu.memory_space<vmem_shared>>
      %dma_wait3A_450 = arith.constant 0 : i32
      %dma_wait3A_451 = tpu.memref_slice %arg9[%add3A_199, %dma_wait3A_450] : memref<10240x128xf32, #tpu.memory_space<vmem_shared>> -> memref<16x128xf32, #tpu.memory_space<vmem_shared>>
      tpu.wait_dma2 semaphore(%run_scoped3A : memref<!tpu.dma_semaphore, #tpu.memory_space<semaphore_mem>>) src(%arg8 : memref<16x128xf32, #tpu.memory_space<vmem>>) dst(%dma_wait3A_451 : memref<16x128xf32, #tpu.memory_space<vmem_shared>>)
      tpu.yield
    }) : () -> ()
    %mul3A_200 = arith.constant 640 : i32
    %mul3A_201 = arith.muli %arg1, %mul3A_200 : i32
    %add3A_202 = arith.constant 288 : i32
    %add3A_203 = arith.addi %mul3A_201, %add3A_202 : i32
    "tpu.region"() ({
      %run_scoped3A = tpu.sem_alloc : memref<!tpu.dma_semaphore, #tpu.memory_space<semaphore_mem>>
      %dma_start3A_444 = arith.constant 0 : i32
      %dma_start3A_445 = tpu.memref_slice %arg9[%add3A_203, %dma_start3A_444] : memref<10240x128xf32, #tpu.memory_space<vmem_shared>> -> memref<16x128xf32, #tpu.memory_space<vmem_shared>>
      %dma_start3A_446 = arith.constant 0 : i32
      %dma_start3A_447 = tpu.memref_slice %arg9[%add3A_203, %dma_start3A_446] : memref<10240x128xf32, #tpu.memory_space<vmem_shared>> -> memref<16x128xf32, #tpu.memory_space<vmem_shared>>
      tpu.enqueue_dma source(%arg8 : memref<16x128xf32, #tpu.memory_space<vmem>>) target(%dma_start3A_447 : memref<16x128xf32, #tpu.memory_space<vmem_shared>>) target_semaphore(%run_scoped3A : memref<!tpu.dma_semaphore, #tpu.memory_space<semaphore_mem>>)
      %dma_wait3A_448 = arith.constant 0 : i32
      %dma_wait3A_449 = tpu.memref_slice %arg9[%add3A_203, %dma_wait3A_448] : memref<10240x128xf32, #tpu.memory_space<vmem_shared>> -> memref<16x128xf32, #tpu.memory_space<vmem_shared>>
      %dma_wait3A_450 = arith.constant 0 : i32
      %dma_wait3A_451 = tpu.memref_slice %arg9[%add3A_203, %dma_wait3A_450] : memref<10240x128xf32, #tpu.memory_space<vmem_shared>> -> memref<16x128xf32, #tpu.memory_space<vmem_shared>>
      tpu.wait_dma2 semaphore(%run_scoped3A : memref<!tpu.dma_semaphore, #tpu.memory_space<semaphore_mem>>) src(%arg8 : memref<16x128xf32, #tpu.memory_space<vmem>>) dst(%dma_wait3A_451 : memref<16x128xf32, #tpu.memory_space<vmem_shared>>)
      tpu.yield
    }) : () -> ()
    %mul3A_204 = arith.constant 640 : i32
    %mul3A_205 = arith.muli %arg1, %mul3A_204 : i32
    %add3A_206 = arith.constant 304 : i32
    %add3A_207 = arith.addi %mul3A_205, %add3A_206 : i32
    "tpu.region"() ({
      %run_scoped3A = tpu.sem_alloc : memref<!tpu.dma_semaphore, #tpu.memory_space<semaphore_mem>>
      %dma_start3A_444 = arith.constant 0 : i32
      %dma_start3A_445 = tpu.memref_slice %arg9[%add3A_207, %dma_start3A_444] : memref<10240x128xf32, #tpu.memory_space<vmem_shared>> -> memref<16x128xf32, #tpu.memory_space<vmem_shared>>
      %dma_start3A_446 = arith.constant 0 : i32
      %dma_start3A_447 = tpu.memref_slice %arg9[%add3A_207, %dma_start3A_446] : memref<10240x128xf32, #tpu.memory_space<vmem_shared>> -> memref<16x128xf32, #tpu.memory_space<vmem_shared>>
      tpu.enqueue_dma source(%arg8 : memref<16x128xf32, #tpu.memory_space<vmem>>) target(%dma_start3A_447 : memref<16x128xf32, #tpu.memory_space<vmem_shared>>) target_semaphore(%run_scoped3A : memref<!tpu.dma_semaphore, #tpu.memory_space<semaphore_mem>>)
      %dma_wait3A_448 = arith.constant 0 : i32
      %dma_wait3A_449 = tpu.memref_slice %arg9[%add3A_207, %dma_wait3A_448] : memref<10240x128xf32, #tpu.memory_space<vmem_shared>> -> memref<16x128xf32, #tpu.memory_space<vmem_shared>>
      %dma_wait3A_450 = arith.constant 0 : i32
      %dma_wait3A_451 = tpu.memref_slice %arg9[%add3A_207, %dma_wait3A_450] : memref<10240x128xf32, #tpu.memory_space<vmem_shared>> -> memref<16x128xf32, #tpu.memory_space<vmem_shared>>
      tpu.wait_dma2 semaphore(%run_scoped3A : memref<!tpu.dma_semaphore, #tpu.memory_space<semaphore_mem>>) src(%arg8 : memref<16x128xf32, #tpu.memory_space<vmem>>) dst(%dma_wait3A_451 : memref<16x128xf32, #tpu.memory_space<vmem_shared>>)
      tpu.yield
    }) : () -> ()
    %mul3A_208 = arith.constant 640 : i32
    %mul3A_209 = arith.muli %arg1, %mul3A_208 : i32
    %add3A_210 = arith.constant 320 : i32
    %add3A_211 = arith.addi %mul3A_209, %add3A_210 : i32
    "tpu.region"() ({
      %run_scoped3A = tpu.sem_alloc : memref<!tpu.dma_semaphore, #tpu.memory_space<semaphore_mem>>
      %dma_start3A_444 = arith.constant 0 : i32
      %dma_start3A_445 = tpu.memref_slice %arg9[%add3A_211, %dma_start3A_444] : memref<10240x128xf32, #tpu.memory_space<vmem_shared>> -> memref<16x128xf32, #tpu.memory_space<vmem_shared>>
      %dma_start3A_446 = arith.constant 0 : i32
      %dma_start3A_447 = tpu.memref_slice %arg9[%add3A_211, %dma_start3A_446] : memref<10240x128xf32, #tpu.memory_space<vmem_shared>> -> memref<16x128xf32, #tpu.memory_space<vmem_shared>>
      tpu.enqueue_dma source(%arg8 : memref<16x128xf32, #tpu.memory_space<vmem>>) target(%dma_start3A_447 : memref<16x128xf32, #tpu.memory_space<vmem_shared>>) target_semaphore(%run_scoped3A : memref<!tpu.dma_semaphore, #tpu.memory_space<semaphore_mem>>)
      %dma_wait3A_448 = arith.constant 0 : i32
      %dma_wait3A_449 = tpu.memref_slice %arg9[%add3A_211, %dma_wait3A_448] : memref<10240x128xf32, #tpu.memory_space<vmem_shared>> -> memref<16x128xf32, #tpu.memory_space<vmem_shared>>
      %dma_wait3A_450 = arith.constant 0 : i32
      %dma_wait3A_451 = tpu.memref_slice %arg9[%add3A_211, %dma_wait3A_450] : memref<10240x128xf32, #tpu.memory_space<vmem_shared>> -> memref<16x128xf32, #tpu.memory_space<vmem_shared>>
      tpu.wait_dma2 semaphore(%run_scoped3A : memref<!tpu.dma_semaphore, #tpu.memory_space<semaphore_mem>>) src(%arg8 : memref<16x128xf32, #tpu.memory_space<vmem>>) dst(%dma_wait3A_451 : memref<16x128xf32, #tpu.memory_space<vmem_shared>>)
      tpu.yield
    }) : () -> ()
    %mul3A_212 = arith.constant 640 : i32
    %mul3A_213 = arith.muli %arg1, %mul3A_212 : i32
    %add3A_214 = arith.constant 336 : i32
    %add3A_215 = arith.addi %mul3A_213, %add3A_214 : i32
    "tpu.region"() ({
      %run_scoped3A = tpu.sem_alloc : memref<!tpu.dma_semaphore, #tpu.memory_space<semaphore_mem>>
      %dma_start3A_444 = arith.constant 0 : i32
      %dma_start3A_445 = tpu.memref_slice %arg9[%add3A_215, %dma_start3A_444] : memref<10240x128xf32, #tpu.memory_space<vmem_shared>> -> memref<16x128xf32, #tpu.memory_space<vmem_shared>>
      %dma_start3A_446 = arith.constant 0 : i32
      %dma_start3A_447 = tpu.memref_slice %arg9[%add3A_215, %dma_start3A_446] : memref<10240x128xf32, #tpu.memory_space<vmem_shared>> -> memref<16x128xf32, #tpu.memory_space<vmem_shared>>
      tpu.enqueue_dma source(%arg8 : memref<16x128xf32, #tpu.memory_space<vmem>>) target(%dma_start3A_447 : memref<16x128xf32, #tpu.memory_space<vmem_shared>>) target_semaphore(%run_scoped3A : memref<!tpu.dma_semaphore, #tpu.memory_space<semaphore_mem>>)
      %dma_wait3A_448 = arith.constant 0 : i32
      %dma_wait3A_449 = tpu.memref_slice %arg9[%add3A_215, %dma_wait3A_448] : memref<10240x128xf32, #tpu.memory_space<vmem_shared>> -> memref<16x128xf32, #tpu.memory_space<vmem_shared>>
      %dma_wait3A_450 = arith.constant 0 : i32
      %dma_wait3A_451 = tpu.memref_slice %arg9[%add3A_215, %dma_wait3A_450] : memref<10240x128xf32, #tpu.memory_space<vmem_shared>> -> memref<16x128xf32, #tpu.memory_space<vmem_shared>>
      tpu.wait_dma2 semaphore(%run_scoped3A : memref<!tpu.dma_semaphore, #tpu.memory_space<semaphore_mem>>) src(%arg8 : memref<16x128xf32, #tpu.memory_space<vmem>>) dst(%dma_wait3A_451 : memref<16x128xf32, #tpu.memory_space<vmem_shared>>)
      tpu.yield
    }) : () -> ()
    %mul3A_216 = arith.constant 640 : i32
    %mul3A_217 = arith.muli %arg1, %mul3A_216 : i32
    %add3A_218 = arith.constant 352 : i32
    %add3A_219 = arith.addi %mul3A_217, %add3A_218 : i32
    "tpu.region"() ({
      %run_scoped3A = tpu.sem_alloc : memref<!tpu.dma_semaphore, #tpu.memory_space<semaphore_mem>>
      %dma_start3A_444 = arith.constant 0 : i32
      %dma_start3A_445 = tpu.memref_slice %arg9[%add3A_219, %dma_start3A_444] : memref<10240x128xf32, #tpu.memory_space<vmem_shared>> -> memref<16x128xf32, #tpu.memory_space<vmem_shared>>
      %dma_start3A_446 = arith.constant 0 : i32
      %dma_start3A_447 = tpu.memref_slice %arg9[%add3A_219, %dma_start3A_446] : memref<10240x128xf32, #tpu.memory_space<vmem_shared>> -> memref<16x128xf32, #tpu.memory_space<vmem_shared>>
      tpu.enqueue_dma source(%arg8 : memref<16x128xf32, #tpu.memory_space<vmem>>) target(%dma_start3A_447 : memref<16x128xf32, #tpu.memory_space<vmem_shared>>) target_semaphore(%run_scoped3A : memref<!tpu.dma_semaphore, #tpu.memory_space<semaphore_mem>>)
      %dma_wait3A_448 = arith.constant 0 : i32
      %dma_wait3A_449 = tpu.memref_slice %arg9[%add3A_219, %dma_wait3A_448] : memref<10240x128xf32, #tpu.memory_space<vmem_shared>> -> memref<16x128xf32, #tpu.memory_space<vmem_shared>>
      %dma_wait3A_450 = arith.constant 0 : i32
      %dma_wait3A_451 = tpu.memref_slice %arg9[%add3A_219, %dma_wait3A_450] : memref<10240x128xf32, #tpu.memory_space<vmem_shared>> -> memref<16x128xf32, #tpu.memory_space<vmem_shared>>
      tpu.wait_dma2 semaphore(%run_scoped3A : memref<!tpu.dma_semaphore, #tpu.memory_space<semaphore_mem>>) src(%arg8 : memref<16x128xf32, #tpu.memory_space<vmem>>) dst(%dma_wait3A_451 : memref<16x128xf32, #tpu.memory_space<vmem_shared>>)
      tpu.yield
    }) : () -> ()
    %mul3A_220 = arith.constant 640 : i32
    %mul3A_221 = arith.muli %arg1, %mul3A_220 : i32
    %add3A_222 = arith.constant 368 : i32
    %add3A_223 = arith.addi %mul3A_221, %add3A_222 : i32
    "tpu.region"() ({
      %run_scoped3A = tpu.sem_alloc : memref<!tpu.dma_semaphore, #tpu.memory_space<semaphore_mem>>
      %dma_start3A_444 = arith.constant 0 : i32
      %dma_start3A_445 = tpu.memref_slice %arg9[%add3A_223, %dma_start3A_444] : memref<10240x128xf32, #tpu.memory_space<vmem_shared>> -> memref<16x128xf32, #tpu.memory_space<vmem_shared>>
      %dma_start3A_446 = arith.constant 0 : i32
      %dma_start3A_447 = tpu.memref_slice %arg9[%add3A_223, %dma_start3A_446] : memref<10240x128xf32, #tpu.memory_space<vmem_shared>> -> memref<16x128xf32, #tpu.memory_space<vmem_shared>>
      tpu.enqueue_dma source(%arg8 : memref<16x128xf32, #tpu.memory_space<vmem>>) target(%dma_start3A_447 : memref<16x128xf32, #tpu.memory_space<vmem_shared>>) target_semaphore(%run_scoped3A : memref<!tpu.dma_semaphore, #tpu.memory_space<semaphore_mem>>)
      %dma_wait3A_448 = arith.constant 0 : i32
      %dma_wait3A_449 = tpu.memref_slice %arg9[%add3A_223, %dma_wait3A_448] : memref<10240x128xf32, #tpu.memory_space<vmem_shared>> -> memref<16x128xf32, #tpu.memory_space<vmem_shared>>
      %dma_wait3A_450 = arith.constant 0 : i32
      %dma_wait3A_451 = tpu.memref_slice %arg9[%add3A_223, %dma_wait3A_450] : memref<10240x128xf32, #tpu.memory_space<vmem_shared>> -> memref<16x128xf32, #tpu.memory_space<vmem_shared>>
      tpu.wait_dma2 semaphore(%run_scoped3A : memref<!tpu.dma_semaphore, #tpu.memory_space<semaphore_mem>>) src(%arg8 : memref<16x128xf32, #tpu.memory_space<vmem>>) dst(%dma_wait3A_451 : memref<16x128xf32, #tpu.memory_space<vmem_shared>>)
      tpu.yield
    }) : () -> ()
    %mul3A_224 = arith.constant 640 : i32
    %mul3A_225 = arith.muli %arg1, %mul3A_224 : i32
    %add3A_226 = arith.constant 384 : i32
    %add3A_227 = arith.addi %mul3A_225, %add3A_226 : i32
    "tpu.region"() ({
      %run_scoped3A = tpu.sem_alloc : memref<!tpu.dma_semaphore, #tpu.memory_space<semaphore_mem>>
      %dma_start3A_444 = arith.constant 0 : i32
      %dma_start3A_445 = tpu.memref_slice %arg9[%add3A_227, %dma_start3A_444] : memref<10240x128xf32, #tpu.memory_space<vmem_shared>> -> memref<16x128xf32, #tpu.memory_space<vmem_shared>>
      %dma_start3A_446 = arith.constant 0 : i32
      %dma_start3A_447 = tpu.memref_slice %arg9[%add3A_227, %dma_start3A_446] : memref<10240x128xf32, #tpu.memory_space<vmem_shared>> -> memref<16x128xf32, #tpu.memory_space<vmem_shared>>
      tpu.enqueue_dma source(%arg8 : memref<16x128xf32, #tpu.memory_space<vmem>>) target(%dma_start3A_447 : memref<16x128xf32, #tpu.memory_space<vmem_shared>>) target_semaphore(%run_scoped3A : memref<!tpu.dma_semaphore, #tpu.memory_space<semaphore_mem>>)
      %dma_wait3A_448 = arith.constant 0 : i32
      %dma_wait3A_449 = tpu.memref_slice %arg9[%add3A_227, %dma_wait3A_448] : memref<10240x128xf32, #tpu.memory_space<vmem_shared>> -> memref<16x128xf32, #tpu.memory_space<vmem_shared>>
      %dma_wait3A_450 = arith.constant 0 : i32
      %dma_wait3A_451 = tpu.memref_slice %arg9[%add3A_227, %dma_wait3A_450] : memref<10240x128xf32, #tpu.memory_space<vmem_shared>> -> memref<16x128xf32, #tpu.memory_space<vmem_shared>>
      tpu.wait_dma2 semaphore(%run_scoped3A : memref<!tpu.dma_semaphore, #tpu.memory_space<semaphore_mem>>) src(%arg8 : memref<16x128xf32, #tpu.memory_space<vmem>>) dst(%dma_wait3A_451 : memref<16x128xf32, #tpu.memory_space<vmem_shared>>)
      tpu.yield
    }) : () -> ()
    %mul3A_228 = arith.constant 640 : i32
    %mul3A_229 = arith.muli %arg1, %mul3A_228 : i32
    %add3A_230 = arith.constant 400 : i32
    %add3A_231 = arith.addi %mul3A_229, %add3A_230 : i32
    "tpu.region"() ({
      %run_scoped3A = tpu.sem_alloc : memref<!tpu.dma_semaphore, #tpu.memory_space<semaphore_mem>>
      %dma_start3A_444 = arith.constant 0 : i32
      %dma_start3A_445 = tpu.memref_slice %arg9[%add3A_231, %dma_start3A_444] : memref<10240x128xf32, #tpu.memory_space<vmem_shared>> -> memref<16x128xf32, #tpu.memory_space<vmem_shared>>
      %dma_start3A_446 = arith.constant 0 : i32
      %dma_start3A_447 = tpu.memref_slice %arg9[%add3A_231, %dma_start3A_446] : memref<10240x128xf32, #tpu.memory_space<vmem_shared>> -> memref<16x128xf32, #tpu.memory_space<vmem_shared>>
      tpu.enqueue_dma source(%arg8 : memref<16x128xf32, #tpu.memory_space<vmem>>) target(%dma_start3A_447 : memref<16x128xf32, #tpu.memory_space<vmem_shared>>) target_semaphore(%run_scoped3A : memref<!tpu.dma_semaphore, #tpu.memory_space<semaphore_mem>>)
      %dma_wait3A_448 = arith.constant 0 : i32
      %dma_wait3A_449 = tpu.memref_slice %arg9[%add3A_231, %dma_wait3A_448] : memref<10240x128xf32, #tpu.memory_space<vmem_shared>> -> memref<16x128xf32, #tpu.memory_space<vmem_shared>>
      %dma_wait3A_450 = arith.constant 0 : i32
      %dma_wait3A_451 = tpu.memref_slice %arg9[%add3A_231, %dma_wait3A_450] : memref<10240x128xf32, #tpu.memory_space<vmem_shared>> -> memref<16x128xf32, #tpu.memory_space<vmem_shared>>
      tpu.wait_dma2 semaphore(%run_scoped3A : memref<!tpu.dma_semaphore, #tpu.memory_space<semaphore_mem>>) src(%arg8 : memref<16x128xf32, #tpu.memory_space<vmem>>) dst(%dma_wait3A_451 : memref<16x128xf32, #tpu.memory_space<vmem_shared>>)
      tpu.yield
    }) : () -> ()
    %mul3A_232 = arith.constant 640 : i32
    %mul3A_233 = arith.muli %arg1, %mul3A_232 : i32
    %add3A_234 = arith.constant 416 : i32
    %add3A_235 = arith.addi %mul3A_233, %add3A_234 : i32
    "tpu.region"() ({
      %run_scoped3A = tpu.sem_alloc : memref<!tpu.dma_semaphore, #tpu.memory_space<semaphore_mem>>
      %dma_start3A_444 = arith.constant 0 : i32
      %dma_start3A_445 = tpu.memref_slice %arg9[%add3A_235, %dma_start3A_444] : memref<10240x128xf32, #tpu.memory_space<vmem_shared>> -> memref<16x128xf32, #tpu.memory_space<vmem_shared>>
      %dma_start3A_446 = arith.constant 0 : i32
      %dma_start3A_447 = tpu.memref_slice %arg9[%add3A_235, %dma_start3A_446] : memref<10240x128xf32, #tpu.memory_space<vmem_shared>> -> memref<16x128xf32, #tpu.memory_space<vmem_shared>>
      tpu.enqueue_dma source(%arg8 : memref<16x128xf32, #tpu.memory_space<vmem>>) target(%dma_start3A_447 : memref<16x128xf32, #tpu.memory_space<vmem_shared>>) target_semaphore(%run_scoped3A : memref<!tpu.dma_semaphore, #tpu.memory_space<semaphore_mem>>)
      %dma_wait3A_448 = arith.constant 0 : i32
      %dma_wait3A_449 = tpu.memref_slice %arg9[%add3A_235, %dma_wait3A_448] : memref<10240x128xf32, #tpu.memory_space<vmem_shared>> -> memref<16x128xf32, #tpu.memory_space<vmem_shared>>
      %dma_wait3A_450 = arith.constant 0 : i32
      %dma_wait3A_451 = tpu.memref_slice %arg9[%add3A_235, %dma_wait3A_450] : memref<10240x128xf32, #tpu.memory_space<vmem_shared>> -> memref<16x128xf32, #tpu.memory_space<vmem_shared>>
      tpu.wait_dma2 semaphore(%run_scoped3A : memref<!tpu.dma_semaphore, #tpu.memory_space<semaphore_mem>>) src(%arg8 : memref<16x128xf32, #tpu.memory_space<vmem>>) dst(%dma_wait3A_451 : memref<16x128xf32, #tpu.memory_space<vmem_shared>>)
      tpu.yield
    }) : () -> ()
    %mul3A_236 = arith.constant 640 : i32
    %mul3A_237 = arith.muli %arg1, %mul3A_236 : i32
    %add3A_238 = arith.constant 432 : i32
    %add3A_239 = arith.addi %mul3A_237, %add3A_238 : i32
    "tpu.region"() ({
      %run_scoped3A = tpu.sem_alloc : memref<!tpu.dma_semaphore, #tpu.memory_space<semaphore_mem>>
      %dma_start3A_444 = arith.constant 0 : i32
      %dma_start3A_445 = tpu.memref_slice %arg9[%add3A_239, %dma_start3A_444] : memref<10240x128xf32, #tpu.memory_space<vmem_shared>> -> memref<16x128xf32, #tpu.memory_space<vmem_shared>>
      %dma_start3A_446 = arith.constant 0 : i32
      %dma_start3A_447 = tpu.memref_slice %arg9[%add3A_239, %dma_start3A_446] : memref<10240x128xf32, #tpu.memory_space<vmem_shared>> -> memref<16x128xf32, #tpu.memory_space<vmem_shared>>
      tpu.enqueue_dma source(%arg8 : memref<16x128xf32, #tpu.memory_space<vmem>>) target(%dma_start3A_447 : memref<16x128xf32, #tpu.memory_space<vmem_shared>>) target_semaphore(%run_scoped3A : memref<!tpu.dma_semaphore, #tpu.memory_space<semaphore_mem>>)
      %dma_wait3A_448 = arith.constant 0 : i32
      %dma_wait3A_449 = tpu.memref_slice %arg9[%add3A_239, %dma_wait3A_448] : memref<10240x128xf32, #tpu.memory_space<vmem_shared>> -> memref<16x128xf32, #tpu.memory_space<vmem_shared>>
      %dma_wait3A_450 = arith.constant 0 : i32
      %dma_wait3A_451 = tpu.memref_slice %arg9[%add3A_239, %dma_wait3A_450] : memref<10240x128xf32, #tpu.memory_space<vmem_shared>> -> memref<16x128xf32, #tpu.memory_space<vmem_shared>>
      tpu.wait_dma2 semaphore(%run_scoped3A : memref<!tpu.dma_semaphore, #tpu.memory_space<semaphore_mem>>) src(%arg8 : memref<16x128xf32, #tpu.memory_space<vmem>>) dst(%dma_wait3A_451 : memref<16x128xf32, #tpu.memory_space<vmem_shared>>)
      tpu.yield
    }) : () -> ()
    %mul3A_240 = arith.constant 640 : i32
    %mul3A_241 = arith.muli %arg1, %mul3A_240 : i32
    %add3A_242 = arith.constant 448 : i32
    %add3A_243 = arith.addi %mul3A_241, %add3A_242 : i32
    "tpu.region"() ({
      %run_scoped3A = tpu.sem_alloc : memref<!tpu.dma_semaphore, #tpu.memory_space<semaphore_mem>>
      %dma_start3A_444 = arith.constant 0 : i32
      %dma_start3A_445 = tpu.memref_slice %arg9[%add3A_243, %dma_start3A_444] : memref<10240x128xf32, #tpu.memory_space<vmem_shared>> -> memref<16x128xf32, #tpu.memory_space<vmem_shared>>
      %dma_start3A_446 = arith.constant 0 : i32
      %dma_start3A_447 = tpu.memref_slice %arg9[%add3A_243, %dma_start3A_446] : memref<10240x128xf32, #tpu.memory_space<vmem_shared>> -> memref<16x128xf32, #tpu.memory_space<vmem_shared>>
      tpu.enqueue_dma source(%arg8 : memref<16x128xf32, #tpu.memory_space<vmem>>) target(%dma_start3A_447 : memref<16x128xf32, #tpu.memory_space<vmem_shared>>) target_semaphore(%run_scoped3A : memref<!tpu.dma_semaphore, #tpu.memory_space<semaphore_mem>>)
      %dma_wait3A_448 = arith.constant 0 : i32
      %dma_wait3A_449 = tpu.memref_slice %arg9[%add3A_243, %dma_wait3A_448] : memref<10240x128xf32, #tpu.memory_space<vmem_shared>> -> memref<16x128xf32, #tpu.memory_space<vmem_shared>>
      %dma_wait3A_450 = arith.constant 0 : i32
      %dma_wait3A_451 = tpu.memref_slice %arg9[%add3A_243, %dma_wait3A_450] : memref<10240x128xf32, #tpu.memory_space<vmem_shared>> -> memref<16x128xf32, #tpu.memory_space<vmem_shared>>
      tpu.wait_dma2 semaphore(%run_scoped3A : memref<!tpu.dma_semaphore, #tpu.memory_space<semaphore_mem>>) src(%arg8 : memref<16x128xf32, #tpu.memory_space<vmem>>) dst(%dma_wait3A_451 : memref<16x128xf32, #tpu.memory_space<vmem_shared>>)
      tpu.yield
    }) : () -> ()
    %mul3A_244 = arith.constant 640 : i32
    %mul3A_245 = arith.muli %arg1, %mul3A_244 : i32
    %add3A_246 = arith.constant 464 : i32
    %add3A_247 = arith.addi %mul3A_245, %add3A_246 : i32
    "tpu.region"() ({
      %run_scoped3A = tpu.sem_alloc : memref<!tpu.dma_semaphore, #tpu.memory_space<semaphore_mem>>
      %dma_start3A_444 = arith.constant 0 : i32
      %dma_start3A_445 = tpu.memref_slice %arg9[%add3A_247, %dma_start3A_444] : memref<10240x128xf32, #tpu.memory_space<vmem_shared>> -> memref<16x128xf32, #tpu.memory_space<vmem_shared>>
      %dma_start3A_446 = arith.constant 0 : i32
      %dma_start3A_447 = tpu.memref_slice %arg9[%add3A_247, %dma_start3A_446] : memref<10240x128xf32, #tpu.memory_space<vmem_shared>> -> memref<16x128xf32, #tpu.memory_space<vmem_shared>>
      tpu.enqueue_dma source(%arg8 : memref<16x128xf32, #tpu.memory_space<vmem>>) target(%dma_start3A_447 : memref<16x128xf32, #tpu.memory_space<vmem_shared>>) target_semaphore(%run_scoped3A : memref<!tpu.dma_semaphore, #tpu.memory_space<semaphore_mem>>)
      %dma_wait3A_448 = arith.constant 0 : i32
      %dma_wait3A_449 = tpu.memref_slice %arg9[%add3A_247, %dma_wait3A_448] : memref<10240x128xf32, #tpu.memory_space<vmem_shared>> -> memref<16x128xf32, #tpu.memory_space<vmem_shared>>
      %dma_wait3A_450 = arith.constant 0 : i32
      %dma_wait3A_451 = tpu.memref_slice %arg9[%add3A_247, %dma_wait3A_450] : memref<10240x128xf32, #tpu.memory_space<vmem_shared>> -> memref<16x128xf32, #tpu.memory_space<vmem_shared>>
      tpu.wait_dma2 semaphore(%run_scoped3A : memref<!tpu.dma_semaphore, #tpu.memory_space<semaphore_mem>>) src(%arg8 : memref<16x128xf32, #tpu.memory_space<vmem>>) dst(%dma_wait3A_451 : memref<16x128xf32, #tpu.memory_space<vmem_shared>>)
      tpu.yield
    }) : () -> ()
    %mul3A_248 = arith.constant 640 : i32
    %mul3A_249 = arith.muli %arg1, %mul3A_248 : i32
    %add3A_250 = arith.constant 480 : i32
    %add3A_251 = arith.addi %mul3A_249, %add3A_250 : i32
    "tpu.region"() ({
      %run_scoped3A = tpu.sem_alloc : memref<!tpu.dma_semaphore, #tpu.memory_space<semaphore_mem>>
      %dma_start3A_444 = arith.constant 0 : i32
      %dma_start3A_445 = tpu.memref_slice %arg9[%add3A_251, %dma_start3A_444] : memref<10240x128xf32, #tpu.memory_space<vmem_shared>> -> memref<16x128xf32, #tpu.memory_space<vmem_shared>>
      %dma_start3A_446 = arith.constant 0 : i32
      %dma_start3A_447 = tpu.memref_slice %arg9[%add3A_251, %dma_start3A_446] : memref<10240x128xf32, #tpu.memory_space<vmem_shared>> -> memref<16x128xf32, #tpu.memory_space<vmem_shared>>
      tpu.enqueue_dma source(%arg8 : memref<16x128xf32, #tpu.memory_space<vmem>>) target(%dma_start3A_447 : memref<16x128xf32, #tpu.memory_space<vmem_shared>>) target_semaphore(%run_scoped3A : memref<!tpu.dma_semaphore, #tpu.memory_space<semaphore_mem>>)
      %dma_wait3A_448 = arith.constant 0 : i32
      %dma_wait3A_449 = tpu.memref_slice %arg9[%add3A_251, %dma_wait3A_448] : memref<10240x128xf32, #tpu.memory_space<vmem_shared>> -> memref<16x128xf32, #tpu.memory_space<vmem_shared>>
      %dma_wait3A_450 = arith.constant 0 : i32
      %dma_wait3A_451 = tpu.memref_slice %arg9[%add3A_251, %dma_wait3A_450] : memref<10240x128xf32, #tpu.memory_space<vmem_shared>> -> memref<16x128xf32, #tpu.memory_space<vmem_shared>>
      tpu.wait_dma2 semaphore(%run_scoped3A : memref<!tpu.dma_semaphore, #tpu.memory_space<semaphore_mem>>) src(%arg8 : memref<16x128xf32, #tpu.memory_space<vmem>>) dst(%dma_wait3A_451 : memref<16x128xf32, #tpu.memory_space<vmem_shared>>)
      tpu.yield
    }) : () -> ()
    %mul3A_252 = arith.constant 640 : i32
    %mul3A_253 = arith.muli %arg1, %mul3A_252 : i32
    %add3A_254 = arith.constant 496 : i32
    %add3A_255 = arith.addi %mul3A_253, %add3A_254 : i32
    "tpu.region"() ({
      %run_scoped3A = tpu.sem_alloc : memref<!tpu.dma_semaphore, #tpu.memory_space<semaphore_mem>>
      %dma_start3A_444 = arith.constant 0 : i32
      %dma_start3A_445 = tpu.memref_slice %arg9[%add3A_255, %dma_start3A_444] : memref<10240x128xf32, #tpu.memory_space<vmem_shared>> -> memref<16x128xf32, #tpu.memory_space<vmem_shared>>
      %dma_start3A_446 = arith.constant 0 : i32
      %dma_start3A_447 = tpu.memref_slice %arg9[%add3A_255, %dma_start3A_446] : memref<10240x128xf32, #tpu.memory_space<vmem_shared>> -> memref<16x128xf32, #tpu.memory_space<vmem_shared>>
      tpu.enqueue_dma source(%arg8 : memref<16x128xf32, #tpu.memory_space<vmem>>) target(%dma_start3A_447 : memref<16x128xf32, #tpu.memory_space<vmem_shared>>) target_semaphore(%run_scoped3A : memref<!tpu.dma_semaphore, #tpu.memory_space<semaphore_mem>>)
      %dma_wait3A_448 = arith.constant 0 : i32
      %dma_wait3A_449 = tpu.memref_slice %arg9[%add3A_255, %dma_wait3A_448] : memref<10240x128xf32, #tpu.memory_space<vmem_shared>> -> memref<16x128xf32, #tpu.memory_space<vmem_shared>>
      %dma_wait3A_450 = arith.constant 0 : i32
      %dma_wait3A_451 = tpu.memref_slice %arg9[%add3A_255, %dma_wait3A_450] : memref<10240x128xf32, #tpu.memory_space<vmem_shared>> -> memref<16x128xf32, #tpu.memory_space<vmem_shared>>
      tpu.wait_dma2 semaphore(%run_scoped3A : memref<!tpu.dma_semaphore, #tpu.memory_space<semaphore_mem>>) src(%arg8 : memref<16x128xf32, #tpu.memory_space<vmem>>) dst(%dma_wait3A_451 : memref<16x128xf32, #tpu.memory_space<vmem_shared>>)
      tpu.yield
    }) : () -> ()
    %mul3A_256 = arith.constant 640 : i32
    %mul3A_257 = arith.muli %arg1, %mul3A_256 : i32
    %add3A_258 = arith.constant 512 : i32
    %add3A_259 = arith.addi %mul3A_257, %add3A_258 : i32
    "tpu.region"() ({
      %run_scoped3A = tpu.sem_alloc : memref<!tpu.dma_semaphore, #tpu.memory_space<semaphore_mem>>
      %dma_start3A_444 = arith.constant 0 : i32
      %dma_start3A_445 = tpu.memref_slice %arg9[%add3A_259, %dma_start3A_444] : memref<10240x128xf32, #tpu.memory_space<vmem_shared>> -> memref<16x128xf32, #tpu.memory_space<vmem_shared>>
      %dma_start3A_446 = arith.constant 0 : i32
      %dma_start3A_447 = tpu.memref_slice %arg9[%add3A_259, %dma_start3A_446] : memref<10240x128xf32, #tpu.memory_space<vmem_shared>> -> memref<16x128xf32, #tpu.memory_space<vmem_shared>>
      tpu.enqueue_dma source(%arg8 : memref<16x128xf32, #tpu.memory_space<vmem>>) target(%dma_start3A_447 : memref<16x128xf32, #tpu.memory_space<vmem_shared>>) target_semaphore(%run_scoped3A : memref<!tpu.dma_semaphore, #tpu.memory_space<semaphore_mem>>)
      %dma_wait3A_448 = arith.constant 0 : i32
      %dma_wait3A_449 = tpu.memref_slice %arg9[%add3A_259, %dma_wait3A_448] : memref<10240x128xf32, #tpu.memory_space<vmem_shared>> -> memref<16x128xf32, #tpu.memory_space<vmem_shared>>
      %dma_wait3A_450 = arith.constant 0 : i32
      %dma_wait3A_451 = tpu.memref_slice %arg9[%add3A_259, %dma_wait3A_450] : memref<10240x128xf32, #tpu.memory_space<vmem_shared>> -> memref<16x128xf32, #tpu.memory_space<vmem_shared>>
      tpu.wait_dma2 semaphore(%run_scoped3A : memref<!tpu.dma_semaphore, #tpu.memory_space<semaphore_mem>>) src(%arg8 : memref<16x128xf32, #tpu.memory_space<vmem>>) dst(%dma_wait3A_451 : memref<16x128xf32, #tpu.memory_space<vmem_shared>>)
      tpu.yield
    }) : () -> ()
    %mul3A_260 = arith.constant 640 : i32
    %mul3A_261 = arith.muli %arg1, %mul3A_260 : i32
    %add3A_262 = arith.constant 528 : i32
    %add3A_263 = arith.addi %mul3A_261, %add3A_262 : i32
    "tpu.region"() ({
      %run_scoped3A = tpu.sem_alloc : memref<!tpu.dma_semaphore, #tpu.memory_space<semaphore_mem>>
      %dma_start3A_444 = arith.constant 0 : i32
      %dma_start3A_445 = tpu.memref_slice %arg9[%add3A_263, %dma_start3A_444] : memref<10240x128xf32, #tpu.memory_space<vmem_shared>> -> memref<16x128xf32, #tpu.memory_space<vmem_shared>>
      %dma_start3A_446 = arith.constant 0 : i32
      %dma_start3A_447 = tpu.memref_slice %arg9[%add3A_263, %dma_start3A_446] : memref<10240x128xf32, #tpu.memory_space<vmem_shared>> -> memref<16x128xf32, #tpu.memory_space<vmem_shared>>
      tpu.enqueue_dma source(%arg8 : memref<16x128xf32, #tpu.memory_space<vmem>>) target(%dma_start3A_447 : memref<16x128xf32, #tpu.memory_space<vmem_shared>>) target_semaphore(%run_scoped3A : memref<!tpu.dma_semaphore, #tpu.memory_space<semaphore_mem>>)
      %dma_wait3A_448 = arith.constant 0 : i32
      %dma_wait3A_449 = tpu.memref_slice %arg9[%add3A_263, %dma_wait3A_448] : memref<10240x128xf32, #tpu.memory_space<vmem_shared>> -> memref<16x128xf32, #tpu.memory_space<vmem_shared>>
      %dma_wait3A_450 = arith.constant 0 : i32
      %dma_wait3A_451 = tpu.memref_slice %arg9[%add3A_263, %dma_wait3A_450] : memref<10240x128xf32, #tpu.memory_space<vmem_shared>> -> memref<16x128xf32, #tpu.memory_space<vmem_shared>>
      tpu.wait_dma2 semaphore(%run_scoped3A : memref<!tpu.dma_semaphore, #tpu.memory_space<semaphore_mem>>) src(%arg8 : memref<16x128xf32, #tpu.memory_space<vmem>>) dst(%dma_wait3A_451 : memref<16x128xf32, #tpu.memory_space<vmem_shared>>)
      tpu.yield
    }) : () -> ()
    %mul3A_264 = arith.constant 640 : i32
    %mul3A_265 = arith.muli %arg1, %mul3A_264 : i32
    %add3A_266 = arith.constant 544 : i32
    %add3A_267 = arith.addi %mul3A_265, %add3A_266 : i32
    "tpu.region"() ({
      %run_scoped3A = tpu.sem_alloc : memref<!tpu.dma_semaphore, #tpu.memory_space<semaphore_mem>>
      %dma_start3A_444 = arith.constant 0 : i32
      %dma_start3A_445 = tpu.memref_slice %arg9[%add3A_267, %dma_start3A_444] : memref<10240x128xf32, #tpu.memory_space<vmem_shared>> -> memref<16x128xf32, #tpu.memory_space<vmem_shared>>
      %dma_start3A_446 = arith.constant 0 : i32
      %dma_start3A_447 = tpu.memref_slice %arg9[%add3A_267, %dma_start3A_446] : memref<10240x128xf32, #tpu.memory_space<vmem_shared>> -> memref<16x128xf32, #tpu.memory_space<vmem_shared>>
      tpu.enqueue_dma source(%arg8 : memref<16x128xf32, #tpu.memory_space<vmem>>) target(%dma_start3A_447 : memref<16x128xf32, #tpu.memory_space<vmem_shared>>) target_semaphore(%run_scoped3A : memref<!tpu.dma_semaphore, #tpu.memory_space<semaphore_mem>>)
      %dma_wait3A_448 = arith.constant 0 : i32
      %dma_wait3A_449 = tpu.memref_slice %arg9[%add3A_267, %dma_wait3A_448] : memref<10240x128xf32, #tpu.memory_space<vmem_shared>> -> memref<16x128xf32, #tpu.memory_space<vmem_shared>>
      %dma_wait3A_450 = arith.constant 0 : i32
      %dma_wait3A_451 = tpu.memref_slice %arg9[%add3A_267, %dma_wait3A_450] : memref<10240x128xf32, #tpu.memory_space<vmem_shared>> -> memref<16x128xf32, #tpu.memory_space<vmem_shared>>
      tpu.wait_dma2 semaphore(%run_scoped3A : memref<!tpu.dma_semaphore, #tpu.memory_space<semaphore_mem>>) src(%arg8 : memref<16x128xf32, #tpu.memory_space<vmem>>) dst(%dma_wait3A_451 : memref<16x128xf32, #tpu.memory_space<vmem_shared>>)
      tpu.yield
    }) : () -> ()
    %mul3A_268 = arith.constant 640 : i32
    %mul3A_269 = arith.muli %arg1, %mul3A_268 : i32
    %add3A_270 = arith.constant 560 : i32
    %add3A_271 = arith.addi %mul3A_269, %add3A_270 : i32
    "tpu.region"() ({
      %run_scoped3A = tpu.sem_alloc : memref<!tpu.dma_semaphore, #tpu.memory_space<semaphore_mem>>
      %dma_start3A_444 = arith.constant 0 : i32
      %dma_start3A_445 = tpu.memref_slice %arg9[%add3A_271, %dma_start3A_444] : memref<10240x128xf32, #tpu.memory_space<vmem_shared>> -> memref<16x128xf32, #tpu.memory_space<vmem_shared>>
      %dma_start3A_446 = arith.constant 0 : i32
      %dma_start3A_447 = tpu.memref_slice %arg9[%add3A_271, %dma_start3A_446] : memref<10240x128xf32, #tpu.memory_space<vmem_shared>> -> memref<16x128xf32, #tpu.memory_space<vmem_shared>>
      tpu.enqueue_dma source(%arg8 : memref<16x128xf32, #tpu.memory_space<vmem>>) target(%dma_start3A_447 : memref<16x128xf32, #tpu.memory_space<vmem_shared>>) target_semaphore(%run_scoped3A : memref<!tpu.dma_semaphore, #tpu.memory_space<semaphore_mem>>)
      %dma_wait3A_448 = arith.constant 0 : i32
      %dma_wait3A_449 = tpu.memref_slice %arg9[%add3A_271, %dma_wait3A_448] : memref<10240x128xf32, #tpu.memory_space<vmem_shared>> -> memref<16x128xf32, #tpu.memory_space<vmem_shared>>
      %dma_wait3A_450 = arith.constant 0 : i32
      %dma_wait3A_451 = tpu.memref_slice %arg9[%add3A_271, %dma_wait3A_450] : memref<10240x128xf32, #tpu.memory_space<vmem_shared>> -> memref<16x128xf32, #tpu.memory_space<vmem_shared>>
      tpu.wait_dma2 semaphore(%run_scoped3A : memref<!tpu.dma_semaphore, #tpu.memory_space<semaphore_mem>>) src(%arg8 : memref<16x128xf32, #tpu.memory_space<vmem>>) dst(%dma_wait3A_451 : memref<16x128xf32, #tpu.memory_space<vmem_shared>>)
      tpu.yield
    }) : () -> ()
    %mul3A_272 = arith.constant 640 : i32
    %mul3A_273 = arith.muli %arg1, %mul3A_272 : i32
    %add3A_274 = arith.constant 576 : i32
    %add3A_275 = arith.addi %mul3A_273, %add3A_274 : i32
    "tpu.region"() ({
      %run_scoped3A = tpu.sem_alloc : memref<!tpu.dma_semaphore, #tpu.memory_space<semaphore_mem>>
      %dma_start3A_444 = arith.constant 0 : i32
      %dma_start3A_445 = tpu.memref_slice %arg9[%add3A_275, %dma_start3A_444] : memref<10240x128xf32, #tpu.memory_space<vmem_shared>> -> memref<16x128xf32, #tpu.memory_space<vmem_shared>>
      %dma_start3A_446 = arith.constant 0 : i32
      %dma_start3A_447 = tpu.memref_slice %arg9[%add3A_275, %dma_start3A_446] : memref<10240x128xf32, #tpu.memory_space<vmem_shared>> -> memref<16x128xf32, #tpu.memory_space<vmem_shared>>
      tpu.enqueue_dma source(%arg8 : memref<16x128xf32, #tpu.memory_space<vmem>>) target(%dma_start3A_447 : memref<16x128xf32, #tpu.memory_space<vmem_shared>>) target_semaphore(%run_scoped3A : memref<!tpu.dma_semaphore, #tpu.memory_space<semaphore_mem>>)
      %dma_wait3A_448 = arith.constant 0 : i32
      %dma_wait3A_449 = tpu.memref_slice %arg9[%add3A_275, %dma_wait3A_448] : memref<10240x128xf32, #tpu.memory_space<vmem_shared>> -> memref<16x128xf32, #tpu.memory_space<vmem_shared>>
      %dma_wait3A_450 = arith.constant 0 : i32
      %dma_wait3A_451 = tpu.memref_slice %arg9[%add3A_275, %dma_wait3A_450] : memref<10240x128xf32, #tpu.memory_space<vmem_shared>> -> memref<16x128xf32, #tpu.memory_space<vmem_shared>>
      tpu.wait_dma2 semaphore(%run_scoped3A : memref<!tpu.dma_semaphore, #tpu.memory_space<semaphore_mem>>) src(%arg8 : memref<16x128xf32, #tpu.memory_space<vmem>>) dst(%dma_wait3A_451 : memref<16x128xf32, #tpu.memory_space<vmem_shared>>)
      tpu.yield
    }) : () -> ()
    %mul3A_276 = arith.constant 640 : i32
    %mul3A_277 = arith.muli %arg1, %mul3A_276 : i32
    %add3A_278 = arith.constant 592 : i32
    %add3A_279 = arith.addi %mul3A_277, %add3A_278 : i32
    "tpu.region"() ({
      %run_scoped3A = tpu.sem_alloc : memref<!tpu.dma_semaphore, #tpu.memory_space<semaphore_mem>>
      %dma_start3A_444 = arith.constant 0 : i32
      %dma_start3A_445 = tpu.memref_slice %arg9[%add3A_279, %dma_start3A_444] : memref<10240x128xf32, #tpu.memory_space<vmem_shared>> -> memref<16x128xf32, #tpu.memory_space<vmem_shared>>
      %dma_start3A_446 = arith.constant 0 : i32
      %dma_start3A_447 = tpu.memref_slice %arg9[%add3A_279, %dma_start3A_446] : memref<10240x128xf32, #tpu.memory_space<vmem_shared>> -> memref<16x128xf32, #tpu.memory_space<vmem_shared>>
      tpu.enqueue_dma source(%arg8 : memref<16x128xf32, #tpu.memory_space<vmem>>) target(%dma_start3A_447 : memref<16x128xf32, #tpu.memory_space<vmem_shared>>) target_semaphore(%run_scoped3A : memref<!tpu.dma_semaphore, #tpu.memory_space<semaphore_mem>>)
      %dma_wait3A_448 = arith.constant 0 : i32
      %dma_wait3A_449 = tpu.memref_slice %arg9[%add3A_279, %dma_wait3A_448] : memref<10240x128xf32, #tpu.memory_space<vmem_shared>> -> memref<16x128xf32, #tpu.memory_space<vmem_shared>>
      %dma_wait3A_450 = arith.constant 0 : i32
      %dma_wait3A_451 = tpu.memref_slice %arg9[%add3A_279, %dma_wait3A_450] : memref<10240x128xf32, #tpu.memory_space<vmem_shared>> -> memref<16x128xf32, #tpu.memory_space<vmem_shared>>
      tpu.wait_dma2 semaphore(%run_scoped3A : memref<!tpu.dma_semaphore, #tpu.memory_space<semaphore_mem>>) src(%arg8 : memref<16x128xf32, #tpu.memory_space<vmem>>) dst(%dma_wait3A_451 : memref<16x128xf32, #tpu.memory_space<vmem_shared>>)
      tpu.yield
    }) : () -> ()
    %mul3A_280 = arith.constant 640 : i32
    %mul3A_281 = arith.muli %arg1, %mul3A_280 : i32
    %add3A_282 = arith.constant 608 : i32
    %add3A_283 = arith.addi %mul3A_281, %add3A_282 : i32
    "tpu.region"() ({
      %run_scoped3A = tpu.sem_alloc : memref<!tpu.dma_semaphore, #tpu.memory_space<semaphore_mem>>
      %dma_start3A_444 = arith.constant 0 : i32
      %dma_start3A_445 = tpu.memref_slice %arg9[%add3A_283, %dma_start3A_444] : memref<10240x128xf32, #tpu.memory_space<vmem_shared>> -> memref<16x128xf32, #tpu.memory_space<vmem_shared>>
      %dma_start3A_446 = arith.constant 0 : i32
      %dma_start3A_447 = tpu.memref_slice %arg9[%add3A_283, %dma_start3A_446] : memref<10240x128xf32, #tpu.memory_space<vmem_shared>> -> memref<16x128xf32, #tpu.memory_space<vmem_shared>>
      tpu.enqueue_dma source(%arg8 : memref<16x128xf32, #tpu.memory_space<vmem>>) target(%dma_start3A_447 : memref<16x128xf32, #tpu.memory_space<vmem_shared>>) target_semaphore(%run_scoped3A : memref<!tpu.dma_semaphore, #tpu.memory_space<semaphore_mem>>)
      %dma_wait3A_448 = arith.constant 0 : i32
      %dma_wait3A_449 = tpu.memref_slice %arg9[%add3A_283, %dma_wait3A_448] : memref<10240x128xf32, #tpu.memory_space<vmem_shared>> -> memref<16x128xf32, #tpu.memory_space<vmem_shared>>
      %dma_wait3A_450 = arith.constant 0 : i32
      %dma_wait3A_451 = tpu.memref_slice %arg9[%add3A_283, %dma_wait3A_450] : memref<10240x128xf32, #tpu.memory_space<vmem_shared>> -> memref<16x128xf32, #tpu.memory_space<vmem_shared>>
      tpu.wait_dma2 semaphore(%run_scoped3A : memref<!tpu.dma_semaphore, #tpu.memory_space<semaphore_mem>>) src(%arg8 : memref<16x128xf32, #tpu.memory_space<vmem>>) dst(%dma_wait3A_451 : memref<16x128xf32, #tpu.memory_space<vmem_shared>>)
      tpu.yield
    }) : () -> ()
    %mul3A_284 = arith.constant 640 : i32
    %mul3A_285 = arith.muli %arg1, %mul3A_284 : i32
    %add3A_286 = arith.constant 624 : i32
    %add3A_287 = arith.addi %mul3A_285, %add3A_286 : i32
    "tpu.region"() ({
      %run_scoped3A = tpu.sem_alloc : memref<!tpu.dma_semaphore, #tpu.memory_space<semaphore_mem>>
      %dma_start3A_444 = arith.constant 0 : i32
      %dma_start3A_445 = tpu.memref_slice %arg9[%add3A_287, %dma_start3A_444] : memref<10240x128xf32, #tpu.memory_space<vmem_shared>> -> memref<16x128xf32, #tpu.memory_space<vmem_shared>>
      %dma_start3A_446 = arith.constant 0 : i32
      %dma_start3A_447 = tpu.memref_slice %arg9[%add3A_287, %dma_start3A_446] : memref<10240x128xf32, #tpu.memory_space<vmem_shared>> -> memref<16x128xf32, #tpu.memory_space<vmem_shared>>
      tpu.enqueue_dma source(%arg8 : memref<16x128xf32, #tpu.memory_space<vmem>>) target(%dma_start3A_447 : memref<16x128xf32, #tpu.memory_space<vmem_shared>>) target_semaphore(%run_scoped3A : memref<!tpu.dma_semaphore, #tpu.memory_space<semaphore_mem>>)
      %dma_wait3A_448 = arith.constant 0 : i32
      %dma_wait3A_449 = tpu.memref_slice %arg9[%add3A_287, %dma_wait3A_448] : memref<10240x128xf32, #tpu.memory_space<vmem_shared>> -> memref<16x128xf32, #tpu.memory_space<vmem_shared>>
      %dma_wait3A_450 = arith.constant 0 : i32
      %dma_wait3A_451 = tpu.memref_slice %arg9[%add3A_287, %dma_wait3A_450] : memref<10240x128xf32, #tpu.memory_space<vmem_shared>> -> memref<16x128xf32, #tpu.memory_space<vmem_shared>>
      tpu.wait_dma2 semaphore(%run_scoped3A : memref<!tpu.dma_semaphore, #tpu.memory_space<semaphore_mem>>) src(%arg8 : memref<16x128xf32, #tpu.memory_space<vmem>>) dst(%dma_wait3A_451 : memref<16x128xf32, #tpu.memory_space<vmem_shared>>)
      tpu.yield
    }) : () -> ()
    %barrier3A = arith.constant 0 : index
    tpu.barrier barrier_id(%barrier3A)
    %add3A_288 = arith.constant 0 : i32
    %add3A_289 = arith.addi %mul3A_4, %add3A_288 : i32
    %dma_wait3A = arith.constant 0 : i32
    %dma_wait3A_290 = arith.constant 0 : i32
    %dma_wait3A_291 = arith.constant 0 : i32
    %dma_wait3A_292 = tpu.memref_slice %arg5[%dma_wait3A, %dma_wait3A_291] : memref<4x80xi32, #tpu.memory_space<vmem>> -> memref<1x80xi32, #tpu.memory_space<vmem>>
    %dma_wait3A_293 = tpu.memref_squeeze %dma_wait3A_292 : memref<1x80xi32, #tpu.memory_space<vmem>> -> memref<80xi32, #tpu.memory_space<vmem>>
    %dma_wait3A_294 = tpu.memref_slice %arg3[%add3A_289] : memref<640000xi32, #tpu.memory_space<hbm>> -> memref<80xi32, #tpu.memory_space<hbm>>
    %dma_wait3A_295 = tpu.memref_slice %arg12[%dma_wait3A_290] : memref<4x!tpu.dma_semaphore, #tpu.memory_space<semaphore_mem>> -> memref<1x!tpu.dma_semaphore, #tpu.memory_space<semaphore_mem>>
    %dma_wait3A_296 = tpu.memref_squeeze %dma_wait3A_295 : memref<1x!tpu.dma_semaphore, #tpu.memory_space<semaphore_mem>> -> memref<!tpu.dma_semaphore, #tpu.memory_space<semaphore_mem>>
    %dma_wait3A_297 = arith.constant 0 : i32
    %dma_wait3A_298 = tpu.memref_slice %arg5[%dma_wait3A, %dma_wait3A_297] : memref<4x80xi32, #tpu.memory_space<vmem>> -> memref<1x80xi32, #tpu.memory_space<vmem>>
    %dma_wait3A_299 = tpu.memref_squeeze %dma_wait3A_298 : memref<1x80xi32, #tpu.memory_space<vmem>> -> memref<80xi32, #tpu.memory_space<vmem>>
    %dma_wait3A_300 = tpu.memref_slice %arg3[%add3A_289] : memref<640000xi32, #tpu.memory_space<hbm>> -> memref<80xi32, #tpu.memory_space<hbm>>
    tpu.wait_dma2 semaphore(%dma_wait3A_296 : memref<!tpu.dma_semaphore, #tpu.memory_space<semaphore_mem>>) src(%dma_wait3A_300 : memref<80xi32, #tpu.memory_space<hbm>>) dst(%dma_wait3A_299 : memref<80xi32, #tpu.memory_space<vmem>>)
    %dma_start3A_301 = arith.constant 0 : i32
    %dma_start3A_302 = arith.constant 0 : i32
    %dma_start3A_303 = arith.constant 0 : i32
    %dma_start3A_304 = arith.constant 0 : i32
    %dma_start3A_305 = arith.constant 0 : i32
    %dma_start3A_306 = tpu.memref_slice %arg7[%dma_start3A_302, %dma_start3A_304, %dma_start3A_305] : memref<4x80x128xf32, #tpu.memory_space<vmem>> -> memref<1x80x128xf32, #tpu.memory_space<vmem>>
    %dma_start3A_307 = tpu.memref_squeeze %dma_start3A_306 : memref<1x80x128xf32, #tpu.memory_space<vmem>> -> memref<80x128xf32, #tpu.memory_space<vmem>>
    %dma_start3A_308 = arith.constant 0 : i32
    %dma_start3A_309 = tpu.memref_slice %arg5[%dma_start3A_301, %dma_start3A_308] : memref<4x80xi32, #tpu.memory_space<vmem>> -> memref<1x80xi32, #tpu.memory_space<vmem>>
    %dma_start3A_310 = tpu.memref_squeeze %dma_start3A_309 : memref<1x80xi32, #tpu.memory_space<vmem>> -> memref<80xi32, #tpu.memory_space<vmem>>
    %dma_start3A_311 = arith.constant 0 : i32
    %dma_start3A_312 = arith.constant 0 : i32
    %dma_start3A_313 = tpu.memref_slice %arg2[%dma_start3A_311, %dma_start3A_312] : memref<10000x128xf32, #tpu.memory_space<hbm>> -> memref<10000x128xf32, #tpu.memory_space<hbm>>
    %dma_start3A_314 = tpu.memref_slice %arg10[%dma_start3A_303] : memref<4x!tpu.dma_semaphore, #tpu.memory_space<semaphore_mem>> -> memref<1x!tpu.dma_semaphore, #tpu.memory_space<semaphore_mem>>
    %dma_start3A_315 = tpu.memref_squeeze %dma_start3A_314 : memref<1x!tpu.dma_semaphore, #tpu.memory_space<semaphore_mem>> -> memref<!tpu.dma_semaphore, #tpu.memory_space<semaphore_mem>>
    tpu.enqueue_indirect_dma source(%dma_start3A_313 : memref<10000x128xf32, #tpu.memory_space<hbm>>) target(%dma_start3A_307 : memref<80x128xf32, #tpu.memory_space<vmem>>) offsets(%dma_start3A_310 : memref<80xi32, #tpu.memory_space<vmem>>) semaphore(%dma_start3A_315 : memref<!tpu.dma_semaphore, #tpu.memory_space<semaphore_mem>>)
    %add3A_316 = arith.constant 80 : i32
    %add3A_317 = arith.addi %mul3A_4, %add3A_316 : i32
    %dma_wait3A_318 = arith.constant 1 : i32
    %dma_wait3A_319 = arith.constant 1 : i32
    %dma_wait3A_320 = arith.constant 0 : i32
    %dma_wait3A_321 = tpu.memref_slice %arg5[%dma_wait3A_318, %dma_wait3A_320] : memref<4x80xi32, #tpu.memory_space<vmem>> -> memref<1x80xi32, #tpu.memory_space<vmem>>
    %dma_wait3A_322 = tpu.memref_squeeze %dma_wait3A_321 : memref<1x80xi32, #tpu.memory_space<vmem>> -> memref<80xi32, #tpu.memory_space<vmem>>
    %dma_wait3A_323 = tpu.memref_slice %arg3[%add3A_317] : memref<640000xi32, #tpu.memory_space<hbm>> -> memref<80xi32, #tpu.memory_space<hbm>>
    %dma_wait3A_324 = tpu.memref_slice %arg12[%dma_wait3A_319] : memref<4x!tpu.dma_semaphore, #tpu.memory_space<semaphore_mem>> -> memref<1x!tpu.dma_semaphore, #tpu.memory_space<semaphore_mem>>
    %dma_wait3A_325 = tpu.memref_squeeze %dma_wait3A_324 : memref<1x!tpu.dma_semaphore, #tpu.memory_space<semaphore_mem>> -> memref<!tpu.dma_semaphore, #tpu.memory_space<semaphore_mem>>
    %dma_wait3A_326 = arith.constant 0 : i32
    %dma_wait3A_327 = tpu.memref_slice %arg5[%dma_wait3A_318, %dma_wait3A_326] : memref<4x80xi32, #tpu.memory_space<vmem>> -> memref<1x80xi32, #tpu.memory_space<vmem>>
    %dma_wait3A_328 = tpu.memref_squeeze %dma_wait3A_327 : memref<1x80xi32, #tpu.memory_space<vmem>> -> memref<80xi32, #tpu.memory_space<vmem>>
    %dma_wait3A_329 = tpu.memref_slice %arg3[%add3A_317] : memref<640000xi32, #tpu.memory_space<hbm>> -> memref<80xi32, #tpu.memory_space<hbm>>
    tpu.wait_dma2 semaphore(%dma_wait3A_325 : memref<!tpu.dma_semaphore, #tpu.memory_space<semaphore_mem>>) src(%dma_wait3A_329 : memref<80xi32, #tpu.memory_space<hbm>>) dst(%dma_wait3A_328 : memref<80xi32, #tpu.memory_space<vmem>>)
    %dma_start3A_330 = arith.constant 1 : i32
    %dma_start3A_331 = arith.constant 1 : i32
    %dma_start3A_332 = arith.constant 1 : i32
    %dma_start3A_333 = arith.constant 0 : i32
    %dma_start3A_334 = arith.constant 0 : i32
    %dma_start3A_335 = tpu.memref_slice %arg7[%dma_start3A_331, %dma_start3A_333, %dma_start3A_334] : memref<4x80x128xf32, #tpu.memory_space<vmem>> -> memref<1x80x128xf32, #tpu.memory_space<vmem>>
    %dma_start3A_336 = tpu.memref_squeeze %dma_start3A_335 : memref<1x80x128xf32, #tpu.memory_space<vmem>> -> memref<80x128xf32, #tpu.memory_space<vmem>>
    %dma_start3A_337 = arith.constant 0 : i32
    %dma_start3A_338 = tpu.memref_slice %arg5[%dma_start3A_330, %dma_start3A_337] : memref<4x80xi32, #tpu.memory_space<vmem>> -> memref<1x80xi32, #tpu.memory_space<vmem>>
    %dma_start3A_339 = tpu.memref_squeeze %dma_start3A_338 : memref<1x80xi32, #tpu.memory_space<vmem>> -> memref<80xi32, #tpu.memory_space<vmem>>
    %dma_start3A_340 = arith.constant 0 : i32
    %dma_start3A_341 = arith.constant 0 : i32
    %dma_start3A_342 = tpu.memref_slice %arg2[%dma_start3A_340, %dma_start3A_341] : memref<10000x128xf32, #tpu.memory_space<hbm>> -> memref<10000x128xf32, #tpu.memory_space<hbm>>
    %dma_start3A_343 = tpu.memref_slice %arg10[%dma_start3A_332] : memref<4x!tpu.dma_semaphore, #tpu.memory_space<semaphore_mem>> -> memref<1x!tpu.dma_semaphore, #tpu.memory_space<semaphore_mem>>
    %dma_start3A_344 = tpu.memref_squeeze %dma_start3A_343 : memref<1x!tpu.dma_semaphore, #tpu.memory_space<semaphore_mem>> -> memref<!tpu.dma_semaphore, #tpu.memory_space<semaphore_mem>>
    tpu.enqueue_indirect_dma source(%dma_start3A_342 : memref<10000x128xf32, #tpu.memory_space<hbm>>) target(%dma_start3A_336 : memref<80x128xf32, #tpu.memory_space<vmem>>) offsets(%dma_start3A_339 : memref<80xi32, #tpu.memory_space<vmem>>) semaphore(%dma_start3A_344 : memref<!tpu.dma_semaphore, #tpu.memory_space<semaphore_mem>>)
    %add3A_345 = arith.constant 160 : i32
    %add3A_346 = arith.addi %mul3A_4, %add3A_345 : i32
    %dma_wait3A_347 = arith.constant 2 : i32
    %dma_wait3A_348 = arith.constant 2 : i32
    %dma_wait3A_349 = arith.constant 0 : i32
    %dma_wait3A_350 = tpu.memref_slice %arg5[%dma_wait3A_347, %dma_wait3A_349] : memref<4x80xi32, #tpu.memory_space<vmem>> -> memref<1x80xi32, #tpu.memory_space<vmem>>
    %dma_wait3A_351 = tpu.memref_squeeze %dma_wait3A_350 : memref<1x80xi32, #tpu.memory_space<vmem>> -> memref<80xi32, #tpu.memory_space<vmem>>
    %dma_wait3A_352 = tpu.memref_slice %arg3[%add3A_346] : memref<640000xi32, #tpu.memory_space<hbm>> -> memref<80xi32, #tpu.memory_space<hbm>>
    %dma_wait3A_353 = tpu.memref_slice %arg12[%dma_wait3A_348] : memref<4x!tpu.dma_semaphore, #tpu.memory_space<semaphore_mem>> -> memref<1x!tpu.dma_semaphore, #tpu.memory_space<semaphore_mem>>
    %dma_wait3A_354 = tpu.memref_squeeze %dma_wait3A_353 : memref<1x!tpu.dma_semaphore, #tpu.memory_space<semaphore_mem>> -> memref<!tpu.dma_semaphore, #tpu.memory_space<semaphore_mem>>
    %dma_wait3A_355 = arith.constant 0 : i32
    %dma_wait3A_356 = tpu.memref_slice %arg5[%dma_wait3A_347, %dma_wait3A_355] : memref<4x80xi32, #tpu.memory_space<vmem>> -> memref<1x80xi32, #tpu.memory_space<vmem>>
    %dma_wait3A_357 = tpu.memref_squeeze %dma_wait3A_356 : memref<1x80xi32, #tpu.memory_space<vmem>> -> memref<80xi32, #tpu.memory_space<vmem>>
    %dma_wait3A_358 = tpu.memref_slice %arg3[%add3A_346] : memref<640000xi32, #tpu.memory_space<hbm>> -> memref<80xi32, #tpu.memory_space<hbm>>
    tpu.wait_dma2 semaphore(%dma_wait3A_354 : memref<!tpu.dma_semaphore, #tpu.memory_space<semaphore_mem>>) src(%dma_wait3A_358 : memref<80xi32, #tpu.memory_space<hbm>>) dst(%dma_wait3A_357 : memref<80xi32, #tpu.memory_space<vmem>>)
    %dma_start3A_359 = arith.constant 2 : i32
    %dma_start3A_360 = arith.constant 2 : i32
    %dma_start3A_361 = arith.constant 2 : i32
    %dma_start3A_362 = arith.constant 0 : i32
    %dma_start3A_363 = arith.constant 0 : i32
    %dma_start3A_364 = tpu.memref_slice %arg7[%dma_start3A_360, %dma_start3A_362, %dma_start3A_363] : memref<4x80x128xf32, #tpu.memory_space<vmem>> -> memref<1x80x128xf32, #tpu.memory_space<vmem>>
    %dma_start3A_365 = tpu.memref_squeeze %dma_start3A_364 : memref<1x80x128xf32, #tpu.memory_space<vmem>> -> memref<80x128xf32, #tpu.memory_space<vmem>>
    %dma_start3A_366 = arith.constant 0 : i32
    %dma_start3A_367 = tpu.memref_slice %arg5[%dma_start3A_359, %dma_start3A_366] : memref<4x80xi32, #tpu.memory_space<vmem>> -> memref<1x80xi32, #tpu.memory_space<vmem>>
    %dma_start3A_368 = tpu.memref_squeeze %dma_start3A_367 : memref<1x80xi32, #tpu.memory_space<vmem>> -> memref<80xi32, #tpu.memory_space<vmem>>
    %dma_start3A_369 = arith.constant 0 : i32
    %dma_start3A_370 = arith.constant 0 : i32
    %dma_start3A_371 = tpu.memref_slice %arg2[%dma_start3A_369, %dma_start3A_370] : memref<10000x128xf32, #tpu.memory_space<hbm>> -> memref<10000x128xf32, #tpu.memory_space<hbm>>
    %dma_start3A_372 = tpu.memref_slice %arg10[%dma_start3A_361] : memref<4x!tpu.dma_semaphore, #tpu.memory_space<semaphore_mem>> -> memref<1x!tpu.dma_semaphore, #tpu.memory_space<semaphore_mem>>
    %dma_start3A_373 = tpu.memref_squeeze %dma_start3A_372 : memref<1x!tpu.dma_semaphore, #tpu.memory_space<semaphore_mem>> -> memref<!tpu.dma_semaphore, #tpu.memory_space<semaphore_mem>>
    tpu.enqueue_indirect_dma source(%dma_start3A_371 : memref<10000x128xf32, #tpu.memory_space<hbm>>) target(%dma_start3A_365 : memref<80x128xf32, #tpu.memory_space<vmem>>) offsets(%dma_start3A_368 : memref<80xi32, #tpu.memory_space<vmem>>) semaphore(%dma_start3A_373 : memref<!tpu.dma_semaphore, #tpu.memory_space<semaphore_mem>>)
    %scan3A_374 = arith.constant 0 : i32
    %scan3A_375 = arith.constant 125 : i32
    %scan3A_376 = arith.addi %scan3A_374, %scan3A_375 : i32
    %scan3A_377 = arith.constant 1 : i32
    scf.for %scan3A_444 = %scan3A_374 to %scan3A_376 step %scan3A_377  : i32 {
      %mul3A_445 = arith.constant 1 : i32
      %mul3A_446 = arith.muli %scan3A_444, %mul3A_445 : i32
      %add3A_447 = arith.constant 0 : i32
      %add3A_448 = arith.addi %add3A_447, %mul3A_446 : i32
      %rem3A = arith.constant 4 : i32
      %rem3A_449 = arith.remsi %add3A_448, %rem3A : i32
      %add3A_450 = arith.constant 4 : i32
      %add3A_451 = arith.addi %add3A_448, %add3A_450 : i32
      %sub3A = arith.constant 1 : i32
      %sub3A_452 = arith.subi %add3A_451, %sub3A : i32
      %rem3A_453 = arith.constant 4 : i32
      %rem3A_454 = arith.remsi %sub3A_452, %rem3A_453 : i32
      %add3A_455 = arith.constant 4 : i32
      %add3A_456 = arith.addi %add3A_448, %add3A_455 : i32
      %sub3A_457 = arith.constant 1 : i32
      %sub3A_458 = arith.subi %add3A_456, %sub3A_457 : i32
      %lt3A = arith.constant 125 : i32
      %lt3A_459 = arith.cmpi slt, %sub3A_458, %lt3A : i32
      %convert_element_type3A = arith.extui %lt3A_459 : i1 to i32
      %cond3A = arith.constant 0 : i32
      %cond3A_460 = arith.cmpi ne, %convert_element_type3A, %cond3A : i32
      scf.if %cond3A_460 {
        %ge3A = arith.constant 1 : i32
        %ge3A_505 = arith.cmpi sge, %add3A_448, %ge3A : i32
        %convert_element_type3A_506 = arith.extui %ge3A_505 : i1 to i32
        %cond3A_507 = arith.constant 0 : i32
        %cond3A_508 = arith.cmpi ne, %convert_element_type3A_506, %cond3A_507 : i32
        scf.if %cond3A_508 {
          %sub3A_538 = arith.constant 1 : i32
          %sub3A_539 = arith.subi %add3A_448, %sub3A_538 : i32
          %dma_wait3A_540 = arith.constant 0 : i32
          %dma_wait3A_541 = arith.constant 0 : i32
          %dma_wait3A_542 = tpu.memref_slice %arg7[%rem3A_454, %dma_wait3A_540, %dma_wait3A_541] : memref<4x80x128xf32, #tpu.memory_space<vmem>> -> memref<1x80x128xf32, #tpu.memory_space<vmem>>
          %dma_wait3A_543 = tpu.memref_squeeze %dma_wait3A_542 : memref<1x80x128xf32, #tpu.memory_space<vmem>> -> memref<80x128xf32, #tpu.memory_space<vmem>>
          %dma_wait3A_544 = arith.constant 0 : i32
          %dma_wait3A_545 = tpu.memref_slice %arg6[%rem3A_454, %dma_wait3A_544] : memref<4x80xi32, #tpu.memory_space<vmem>> -> memref<1x80xi32, #tpu.memory_space<vmem>>
          %dma_wait3A_546 = tpu.memref_squeeze %dma_wait3A_545 : memref<1x80xi32, #tpu.memory_space<vmem>> -> memref<80xi32, #tpu.memory_space<vmem>>
          %dma_wait3A_547 = arith.constant 0 : i32
          %dma_wait3A_548 = arith.constant 0 : i32
          %dma_wait3A_549 = tpu.memref_slice %arg9[%dma_wait3A_547, %dma_wait3A_548] : memref<10240x128xf32, #tpu.memory_space<vmem_shared>> -> memref<10240x128xf32, #tpu.memory_space<vmem_shared>>
          %dma_wait3A_550 = tpu.memref_slice %arg11[%rem3A_454] : memref<4x!tpu.dma_semaphore, #tpu.memory_space<semaphore_mem>> -> memref<1x!tpu.dma_semaphore, #tpu.memory_space<semaphore_mem>>
          %dma_wait3A_551 = tpu.memref_squeeze %dma_wait3A_550 : memref<1x!tpu.dma_semaphore, #tpu.memory_space<semaphore_mem>> -> memref<!tpu.dma_semaphore, #tpu.memory_space<semaphore_mem>>
          tpu.wait_indirect_dma semaphore(%dma_wait3A_551 : memref<!tpu.dma_semaphore, #tpu.memory_space<semaphore_mem>>) src(%dma_wait3A_543 : memref<80x128xf32, #tpu.memory_space<vmem>>) dst(%dma_wait3A_549 : memref<10240x128xf32, #tpu.memory_space<vmem_shared>>)
          %sub3A_552 = arith.constant 1 : i32
          %sub3A_553 = arith.subi %add3A_448, %sub3A_552 : i32
          %add3A_554 = arith.constant 4 : i32
          %add3A_555 = arith.addi %sub3A_553, %add3A_554 : i32
          %lt3A_556 = arith.constant 125 : i32
          %lt3A_557 = arith.cmpi slt, %add3A_555, %lt3A_556 : i32
          %convert_element_type3A_558 = arith.extui %lt3A_557 : i1 to i32
          %cond3A_559 = arith.constant 0 : i32
          %cond3A_560 = arith.cmpi ne, %convert_element_type3A_558, %cond3A_559 : i32
          scf.if %cond3A_560 {
            %sub3A_561 = arith.constant 1 : i32
            %sub3A_562 = arith.subi %add3A_448, %sub3A_561 : i32
            %add3A_563 = arith.constant 4 : i32
            %add3A_564 = arith.addi %sub3A_562, %add3A_563 : i32
            %mul3A_565 = arith.constant 80 : i32
            %mul3A_566 = arith.muli %add3A_564, %mul3A_565 : i32
            %add3A_567 = arith.addi %add3A_10, %mul3A_566 : i32
            %dma_start3A_568 = arith.constant 0 : i32
            %dma_start3A_569 = tpu.memref_slice %arg6[%rem3A_454, %dma_start3A_568] : memref<4x80xi32, #tpu.memory_space<vmem>> -> memref<1x80xi32, #tpu.memory_space<vmem>>
            %dma_start3A_570 = tpu.memref_squeeze %dma_start3A_569 : memref<1x80xi32, #tpu.memory_space<vmem>> -> memref<80xi32, #tpu.memory_space<vmem>>
            %dma_start3A_571 = tpu.memref_slice %arg3[%add3A_567] : memref<640000xi32, #tpu.memory_space<hbm>> -> memref<80xi32, #tpu.memory_space<hbm>>
            %dma_start3A_572 = tpu.memref_slice %arg13[%rem3A_454] : memref<4x!tpu.dma_semaphore, #tpu.memory_space<semaphore_mem>> -> memref<1x!tpu.dma_semaphore, #tpu.memory_space<semaphore_mem>>
            %dma_start3A_573 = tpu.memref_squeeze %dma_start3A_572 : memref<1x!tpu.dma_semaphore, #tpu.memory_space<semaphore_mem>> -> memref<!tpu.dma_semaphore, #tpu.memory_space<semaphore_mem>>
            %dma_start3A_574 = arith.constant 0 : i32
            %dma_start3A_575 = tpu.memref_slice %arg6[%rem3A_454, %dma_start3A_574] : memref<4x80xi32, #tpu.memory_space<vmem>> -> memref<1x80xi32, #tpu.memory_space<vmem>>
            %dma_start3A_576 = tpu.memref_squeeze %dma_start3A_575 : memref<1x80xi32, #tpu.memory_space<vmem>> -> memref<80xi32, #tpu.memory_space<vmem>>
            %dma_start3A_577 = tpu.memref_slice %arg3[%add3A_567] : memref<640000xi32, #tpu.memory_space<hbm>> -> memref<80xi32, #tpu.memory_space<hbm>>
            tpu.enqueue_dma source(%dma_start3A_577 : memref<80xi32, #tpu.memory_space<hbm>>) target(%dma_start3A_576 : memref<80xi32, #tpu.memory_space<vmem>>) target_semaphore(%dma_start3A_573 : memref<!tpu.dma_semaphore, #tpu.memory_space<semaphore_mem>>)
          } else {
          }
        } else {
        }
        %add3A_509 = arith.constant 4 : i32
        %add3A_510 = arith.addi %add3A_448, %add3A_509 : i32
        %sub3A_511 = arith.constant 1 : i32
        %sub3A_512 = arith.subi %add3A_510, %sub3A_511 : i32
        %mul3A_513 = arith.constant 80 : i32
        %mul3A_514 = arith.muli %sub3A_512, %mul3A_513 : i32
        %add3A_515 = arith.addi %mul3A_4, %mul3A_514 : i32
        %dma_wait3A_516 = arith.constant 0 : i32
        %dma_wait3A_517 = tpu.memref_slice %arg5[%rem3A_454, %dma_wait3A_516] : memref<4x80xi32, #tpu.memory_space<vmem>> -> memref<1x80xi32, #tpu.memory_space<vmem>>
        %dma_wait3A_518 = tpu.memref_squeeze %dma_wait3A_517 : memref<1x80xi32, #tpu.memory_space<vmem>> -> memref<80xi32, #tpu.memory_space<vmem>>
        %dma_wait3A_519 = tpu.memref_slice %arg3[%add3A_515] : memref<640000xi32, #tpu.memory_space<hbm>> -> memref<80xi32, #tpu.memory_space<hbm>>
        %dma_wait3A_520 = tpu.memref_slice %arg12[%rem3A_454] : memref<4x!tpu.dma_semaphore, #tpu.memory_space<semaphore_mem>> -> memref<1x!tpu.dma_semaphore, #tpu.memory_space<semaphore_mem>>
        %dma_wait3A_521 = tpu.memref_squeeze %dma_wait3A_520 : memref<1x!tpu.dma_semaphore, #tpu.memory_space<semaphore_mem>> -> memref<!tpu.dma_semaphore, #tpu.memory_space<semaphore_mem>>
        %dma_wait3A_522 = arith.constant 0 : i32
        %dma_wait3A_523 = tpu.memref_slice %arg5[%rem3A_454, %dma_wait3A_522] : memref<4x80xi32, #tpu.memory_space<vmem>> -> memref<1x80xi32, #tpu.memory_space<vmem>>
        %dma_wait3A_524 = tpu.memref_squeeze %dma_wait3A_523 : memref<1x80xi32, #tpu.memory_space<vmem>> -> memref<80xi32, #tpu.memory_space<vmem>>
        %dma_wait3A_525 = tpu.memref_slice %arg3[%add3A_515] : memref<640000xi32, #tpu.memory_space<hbm>> -> memref<80xi32, #tpu.memory_space<hbm>>
        tpu.wait_dma2 semaphore(%dma_wait3A_521 : memref<!tpu.dma_semaphore, #tpu.memory_space<semaphore_mem>>) src(%dma_wait3A_525 : memref<80xi32, #tpu.memory_space<hbm>>) dst(%dma_wait3A_524 : memref<80xi32, #tpu.memory_space<vmem>>)
        %dma_start3A_526 = arith.constant 0 : i32
        %dma_start3A_527 = arith.constant 0 : i32
        %dma_start3A_528 = tpu.memref_slice %arg7[%rem3A_454, %dma_start3A_526, %dma_start3A_527] : memref<4x80x128xf32, #tpu.memory_space<vmem>> -> memref<1x80x128xf32, #tpu.memory_space<vmem>>
        %dma_start3A_529 = tpu.memref_squeeze %dma_start3A_528 : memref<1x80x128xf32, #tpu.memory_space<vmem>> -> memref<80x128xf32, #tpu.memory_space<vmem>>
        %dma_start3A_530 = arith.constant 0 : i32
        %dma_start3A_531 = tpu.memref_slice %arg5[%rem3A_454, %dma_start3A_530] : memref<4x80xi32, #tpu.memory_space<vmem>> -> memref<1x80xi32, #tpu.memory_space<vmem>>
        %dma_start3A_532 = tpu.memref_squeeze %dma_start3A_531 : memref<1x80xi32, #tpu.memory_space<vmem>> -> memref<80xi32, #tpu.memory_space<vmem>>
        %dma_start3A_533 = arith.constant 0 : i32
        %dma_start3A_534 = arith.constant 0 : i32
        %dma_start3A_535 = tpu.memref_slice %arg2[%dma_start3A_533, %dma_start3A_534] : memref<10000x128xf32, #tpu.memory_space<hbm>> -> memref<10000x128xf32, #tpu.memory_space<hbm>>
        %dma_start3A_536 = tpu.memref_slice %arg10[%rem3A_454] : memref<4x!tpu.dma_semaphore, #tpu.memory_space<semaphore_mem>> -> memref<1x!tpu.dma_semaphore, #tpu.memory_space<semaphore_mem>>
        %dma_start3A_537 = tpu.memref_squeeze %dma_start3A_536 : memref<1x!tpu.dma_semaphore, #tpu.memory_space<semaphore_mem>> -> memref<!tpu.dma_semaphore, #tpu.memory_space<semaphore_mem>>
        tpu.enqueue_indirect_dma source(%dma_start3A_535 : memref<10000x128xf32, #tpu.memory_space<hbm>>) target(%dma_start3A_529 : memref<80x128xf32, #tpu.memory_space<vmem>>) offsets(%dma_start3A_532 : memref<80xi32, #tpu.memory_space<vmem>>) semaphore(%dma_start3A_537 : memref<!tpu.dma_semaphore, #tpu.memory_space<semaphore_mem>>)
      } else {
      }
      %dma_wait3A_461 = arith.constant 0 : i32
      %dma_wait3A_462 = arith.constant 0 : i32
      %dma_wait3A_463 = tpu.memref_slice %arg7[%rem3A_449, %dma_wait3A_461, %dma_wait3A_462] : memref<4x80x128xf32, #tpu.memory_space<vmem>> -> memref<1x80x128xf32, #tpu.memory_space<vmem>>
      %dma_wait3A_464 = tpu.memref_squeeze %dma_wait3A_463 : memref<1x80x128xf32, #tpu.memory_space<vmem>> -> memref<80x128xf32, #tpu.memory_space<vmem>>
      %dma_wait3A_465 = arith.constant 0 : i32
      %dma_wait3A_466 = tpu.memref_slice %arg5[%rem3A_449, %dma_wait3A_465] : memref<4x80xi32, #tpu.memory_space<vmem>> -> memref<1x80xi32, #tpu.memory_space<vmem>>
      %dma_wait3A_467 = tpu.memref_squeeze %dma_wait3A_466 : memref<1x80xi32, #tpu.memory_space<vmem>> -> memref<80xi32, #tpu.memory_space<vmem>>
      %dma_wait3A_468 = arith.constant 0 : i32
      %dma_wait3A_469 = arith.constant 0 : i32
      %dma_wait3A_470 = tpu.memref_slice %arg2[%dma_wait3A_468, %dma_wait3A_469] : memref<10000x128xf32, #tpu.memory_space<hbm>> -> memref<10000x128xf32, #tpu.memory_space<hbm>>
      %dma_wait3A_471 = tpu.memref_slice %arg10[%rem3A_449] : memref<4x!tpu.dma_semaphore, #tpu.memory_space<semaphore_mem>> -> memref<1x!tpu.dma_semaphore, #tpu.memory_space<semaphore_mem>>
      %dma_wait3A_472 = tpu.memref_squeeze %dma_wait3A_471 : memref<1x!tpu.dma_semaphore, #tpu.memory_space<semaphore_mem>> -> memref<!tpu.dma_semaphore, #tpu.memory_space<semaphore_mem>>
      tpu.wait_indirect_dma semaphore(%dma_wait3A_472 : memref<!tpu.dma_semaphore, #tpu.memory_space<semaphore_mem>>) src(%dma_wait3A_470 : memref<10000x128xf32, #tpu.memory_space<hbm>>) dst(%dma_wait3A_464 : memref<80x128xf32, #tpu.memory_space<vmem>>)
      %mul3A_473 = arith.constant 80 : i32
      %mul3A_474 = arith.muli %add3A_448, %mul3A_473 : i32
      %add3A_475 = arith.addi %add3A_10, %mul3A_474 : i32
      %dma_wait3A_476 = arith.constant 0 : i32
      %dma_wait3A_477 = tpu.memref_slice %arg6[%rem3A_449, %dma_wait3A_476] : memref<4x80xi32, #tpu.memory_space<vmem>> -> memref<1x80xi32, #tpu.memory_space<vmem>>
      %dma_wait3A_478 = tpu.memref_squeeze %dma_wait3A_477 : memref<1x80xi32, #tpu.memory_space<vmem>> -> memref<80xi32, #tpu.memory_space<vmem>>
      %dma_wait3A_479 = tpu.memref_slice %arg3[%add3A_475] : memref<640000xi32, #tpu.memory_space<hbm>> -> memref<80xi32, #tpu.memory_space<hbm>>
      %dma_wait3A_480 = tpu.memref_slice %arg13[%rem3A_449] : memref<4x!tpu.dma_semaphore, #tpu.memory_space<semaphore_mem>> -> memref<1x!tpu.dma_semaphore, #tpu.memory_space<semaphore_mem>>
      %dma_wait3A_481 = tpu.memref_squeeze %dma_wait3A_480 : memref<1x!tpu.dma_semaphore, #tpu.memory_space<semaphore_mem>> -> memref<!tpu.dma_semaphore, #tpu.memory_space<semaphore_mem>>
      %dma_wait3A_482 = arith.constant 0 : i32
      %dma_wait3A_483 = tpu.memref_slice %arg6[%rem3A_449, %dma_wait3A_482] : memref<4x80xi32, #tpu.memory_space<vmem>> -> memref<1x80xi32, #tpu.memory_space<vmem>>
      %dma_wait3A_484 = tpu.memref_squeeze %dma_wait3A_483 : memref<1x80xi32, #tpu.memory_space<vmem>> -> memref<80xi32, #tpu.memory_space<vmem>>
      %dma_wait3A_485 = tpu.memref_slice %arg3[%add3A_475] : memref<640000xi32, #tpu.memory_space<hbm>> -> memref<80xi32, #tpu.memory_space<hbm>>
      tpu.wait_dma2 semaphore(%dma_wait3A_481 : memref<!tpu.dma_semaphore, #tpu.memory_space<semaphore_mem>>) src(%dma_wait3A_485 : memref<80xi32, #tpu.memory_space<hbm>>) dst(%dma_wait3A_484 : memref<80xi32, #tpu.memory_space<vmem>>)
      %dma_start3A_486 = arith.constant 0 : i32
      %dma_start3A_487 = arith.constant 0 : i32
      %dma_start3A_488 = tpu.memref_slice %arg7[%rem3A_449, %dma_start3A_486, %dma_start3A_487] : memref<4x80x128xf32, #tpu.memory_space<vmem>> -> memref<1x80x128xf32, #tpu.memory_space<vmem>>
      %dma_start3A_489 = tpu.memref_squeeze %dma_start3A_488 : memref<1x80x128xf32, #tpu.memory_space<vmem>> -> memref<80x128xf32, #tpu.memory_space<vmem>>
      %dma_start3A_490 = arith.constant 0 : i32
      %dma_start3A_491 = tpu.memref_slice %arg6[%rem3A_449, %dma_start3A_490] : memref<4x80xi32, #tpu.memory_space<vmem>> -> memref<1x80xi32, #tpu.memory_space<vmem>>
      %dma_start3A_492 = tpu.memref_squeeze %dma_start3A_491 : memref<1x80xi32, #tpu.memory_space<vmem>> -> memref<80xi32, #tpu.memory_space<vmem>>
      %dma_start3A_493 = arith.constant 0 : i32
      %dma_start3A_494 = arith.constant 0 : i32
      %dma_start3A_495 = tpu.memref_slice %arg9[%dma_start3A_493, %dma_start3A_494] : memref<10240x128xf32, #tpu.memory_space<vmem_shared>> -> memref<10240x128xf32, #tpu.memory_space<vmem_shared>>
      %dma_start3A_496 = tpu.memref_slice %arg11[%rem3A_449] : memref<4x!tpu.dma_semaphore, #tpu.memory_space<semaphore_mem>> -> memref<1x!tpu.dma_semaphore, #tpu.memory_space<semaphore_mem>>
      %dma_start3A_497 = tpu.memref_squeeze %dma_start3A_496 : memref<1x!tpu.dma_semaphore, #tpu.memory_space<semaphore_mem>> -> memref<!tpu.dma_semaphore, #tpu.memory_space<semaphore_mem>>
      tpu.enqueue_indirect_dma source(%dma_start3A_489 : memref<80x128xf32, #tpu.memory_space<vmem>>) target(%dma_start3A_495 : memref<10240x128xf32, #tpu.memory_space<vmem_shared>>) offsets(%dma_start3A_492 : memref<80xi32, #tpu.memory_space<vmem>>) semaphore(%dma_start3A_497 : memref<!tpu.dma_semaphore, #tpu.memory_space<semaphore_mem>>) {add = true}
      %add3A_498 = arith.constant 4 : i32
      %add3A_499 = arith.addi %add3A_448, %add3A_498 : i32
      %lt3A_500 = arith.constant 125 : i32
      %lt3A_501 = arith.cmpi slt, %add3A_499, %lt3A_500 : i32
      %convert_element_type3A_502 = arith.extui %lt3A_501 : i1 to i32
      %cond3A_503 = arith.constant 0 : i32
      %cond3A_504 = arith.cmpi ne, %convert_element_type3A_502, %cond3A_503 : i32
      scf.if %cond3A_504 {
        %add3A_505 = arith.constant 4 : i32
        %add3A_506 = arith.addi %add3A_448, %add3A_505 : i32
        %mul3A_507 = arith.constant 80 : i32
        %mul3A_508 = arith.muli %add3A_506, %mul3A_507 : i32
        %add3A_509 = arith.addi %mul3A_4, %mul3A_508 : i32
        %dma_start3A_510 = arith.constant 0 : i32
        %dma_start3A_511 = tpu.memref_slice %arg5[%rem3A_449, %dma_start3A_510] : memref<4x80xi32, #tpu.memory_space<vmem>> -> memref<1x80xi32, #tpu.memory_space<vmem>>
        %dma_start3A_512 = tpu.memref_squeeze %dma_start3A_511 : memref<1x80xi32, #tpu.memory_space<vmem>> -> memref<80xi32, #tpu.memory_space<vmem>>
        %dma_start3A_513 = tpu.memref_slice %arg3[%add3A_509] : memref<640000xi32, #tpu.memory_space<hbm>> -> memref<80xi32, #tpu.memory_space<hbm>>
        %dma_start3A_514 = tpu.memref_slice %arg12[%rem3A_449] : memref<4x!tpu.dma_semaphore, #tpu.memory_space<semaphore_mem>> -> memref<1x!tpu.dma_semaphore, #tpu.memory_space<semaphore_mem>>
        %dma_start3A_515 = tpu.memref_squeeze %dma_start3A_514 : memref<1x!tpu.dma_semaphore, #tpu.memory_space<semaphore_mem>> -> memref<!tpu.dma_semaphore, #tpu.memory_space<semaphore_mem>>
        %dma_start3A_516 = arith.constant 0 : i32
        %dma_start3A_517 = tpu.memref_slice %arg5[%rem3A_449, %dma_start3A_516] : memref<4x80xi32, #tpu.memory_space<vmem>> -> memref<1x80xi32, #tpu.memory_space<vmem>>
        %dma_start3A_518 = tpu.memref_squeeze %dma_start3A_517 : memref<1x80xi32, #tpu.memory_space<vmem>> -> memref<80xi32, #tpu.memory_space<vmem>>
        %dma_start3A_519 = tpu.memref_slice %arg3[%add3A_509] : memref<640000xi32, #tpu.memory_space<hbm>> -> memref<80xi32, #tpu.memory_space<hbm>>
        tpu.enqueue_dma source(%dma_start3A_519 : memref<80xi32, #tpu.memory_space<hbm>>) target(%dma_start3A_518 : memref<80xi32, #tpu.memory_space<vmem>>) target_semaphore(%dma_start3A_515 : memref<!tpu.dma_semaphore, #tpu.memory_space<semaphore_mem>>)
      } else {
      }
    }
    %scan3A_378 = arith.constant 125 : i32
    %dma_wait3A_379 = arith.constant 1 : i32
    %dma_wait3A_380 = arith.constant 1 : i32
    %dma_wait3A_381 = arith.constant 1 : i32
    %dma_wait3A_382 = arith.constant 0 : i32
    %dma_wait3A_383 = arith.constant 0 : i32
    %dma_wait3A_384 = tpu.memref_slice %arg7[%dma_wait3A_379, %dma_wait3A_382, %dma_wait3A_383] : memref<4x80x128xf32, #tpu.memory_space<vmem>> -> memref<1x80x128xf32, #tpu.memory_space<vmem>>
    %dma_wait3A_385 = tpu.memref_squeeze %dma_wait3A_384 : memref<1x80x128xf32, #tpu.memory_space<vmem>> -> memref<80x128xf32, #tpu.memory_space<vmem>>
    %dma_wait3A_386 = arith.constant 0 : i32
    %dma_wait3A_387 = tpu.memref_slice %arg6[%dma_wait3A_380, %dma_wait3A_386] : memref<4x80xi32, #tpu.memory_space<vmem>> -> memref<1x80xi32, #tpu.memory_space<vmem>>
    %dma_wait3A_388 = tpu.memref_squeeze %dma_wait3A_387 : memref<1x80xi32, #tpu.memory_space<vmem>> -> memref<80xi32, #tpu.memory_space<vmem>>
    %dma_wait3A_389 = arith.constant 0 : i32
    %dma_wait3A_390 = arith.constant 0 : i32
    %dma_wait3A_391 = tpu.memref_slice %arg9[%dma_wait3A_389, %dma_wait3A_390] : memref<10240x128xf32, #tpu.memory_space<vmem_shared>> -> memref<10240x128xf32, #tpu.memory_space<vmem_shared>>
    %dma_wait3A_392 = tpu.memref_slice %arg11[%dma_wait3A_381] : memref<4x!tpu.dma_semaphore, #tpu.memory_space<semaphore_mem>> -> memref<1x!tpu.dma_semaphore, #tpu.memory_space<semaphore_mem>>
    %dma_wait3A_393 = tpu.memref_squeeze %dma_wait3A_392 : memref<1x!tpu.dma_semaphore, #tpu.memory_space<semaphore_mem>> -> memref<!tpu.dma_semaphore, #tpu.memory_space<semaphore_mem>>
    tpu.wait_indirect_dma semaphore(%dma_wait3A_393 : memref<!tpu.dma_semaphore, #tpu.memory_space<semaphore_mem>>) src(%dma_wait3A_385 : memref<80x128xf32, #tpu.memory_space<vmem>>) dst(%dma_wait3A_391 : memref<10240x128xf32, #tpu.memory_space<vmem_shared>>)
    %dma_wait3A_394 = arith.constant 2 : i32
    %dma_wait3A_395 = arith.constant 2 : i32
    %dma_wait3A_396 = arith.constant 2 : i32
    %dma_wait3A_397 = arith.constant 0 : i32
    %dma_wait3A_398 = arith.constant 0 : i32
    %dma_wait3A_399 = tpu.memref_slice %arg7[%dma_wait3A_394, %dma_wait3A_397, %dma_wait3A_398] : memref<4x80x128xf32, #tpu.memory_space<vmem>> -> memref<1x80x128xf32, #tpu.memory_space<vmem>>
    %dma_wait3A_400 = tpu.memref_squeeze %dma_wait3A_399 : memref<1x80x128xf32, #tpu.memory_space<vmem>> -> memref<80x128xf32, #tpu.memory_space<vmem>>
    %dma_wait3A_401 = arith.constant 0 : i32
    %dma_wait3A_402 = tpu.memref_slice %arg6[%dma_wait3A_395, %dma_wait3A_401] : memref<4x80xi32, #tpu.memory_space<vmem>> -> memref<1x80xi32, #tpu.memory_space<vmem>>
    %dma_wait3A_403 = tpu.memref_squeeze %dma_wait3A_402 : memref<1x80xi32, #tpu.memory_space<vmem>> -> memref<80xi32, #tpu.memory_space<vmem>>
    %dma_wait3A_404 = arith.constant 0 : i32
    %dma_wait3A_405 = arith.constant 0 : i32
    %dma_wait3A_406 = tpu.memref_slice %arg9[%dma_wait3A_404, %dma_wait3A_405] : memref<10240x128xf32, #tpu.memory_space<vmem_shared>> -> memref<10240x128xf32, #tpu.memory_space<vmem_shared>>
    %dma_wait3A_407 = tpu.memref_slice %arg11[%dma_wait3A_396] : memref<4x!tpu.dma_semaphore, #tpu.memory_space<semaphore_mem>> -> memref<1x!tpu.dma_semaphore, #tpu.memory_space<semaphore_mem>>
    %dma_wait3A_408 = tpu.memref_squeeze %dma_wait3A_407 : memref<1x!tpu.dma_semaphore, #tpu.memory_space<semaphore_mem>> -> memref<!tpu.dma_semaphore, #tpu.memory_space<semaphore_mem>>
    tpu.wait_indirect_dma semaphore(%dma_wait3A_408 : memref<!tpu.dma_semaphore, #tpu.memory_space<semaphore_mem>>) src(%dma_wait3A_400 : memref<80x128xf32, #tpu.memory_space<vmem>>) dst(%dma_wait3A_406 : memref<10240x128xf32, #tpu.memory_space<vmem_shared>>)
    %dma_wait3A_409 = arith.constant 3 : i32
    %dma_wait3A_410 = arith.constant 3 : i32
    %dma_wait3A_411 = arith.constant 3 : i32
    %dma_wait3A_412 = arith.constant 0 : i32
    %dma_wait3A_413 = arith.constant 0 : i32
    %dma_wait3A_414 = tpu.memref_slice %arg7[%dma_wait3A_409, %dma_wait3A_412, %dma_wait3A_413] : memref<4x80x128xf32, #tpu.memory_space<vmem>> -> memref<1x80x128xf32, #tpu.memory_space<vmem>>
    %dma_wait3A_415 = tpu.memref_squeeze %dma_wait3A_414 : memref<1x80x128xf32, #tpu.memory_space<vmem>> -> memref<80x128xf32, #tpu.memory_space<vmem>>
    %dma_wait3A_416 = arith.constant 0 : i32
    %dma_wait3A_417 = tpu.memref_slice %arg6[%dma_wait3A_410, %dma_wait3A_416] : memref<4x80xi32, #tpu.memory_space<vmem>> -> memref<1x80xi32, #tpu.memory_space<vmem>>
    %dma_wait3A_418 = tpu.memref_squeeze %dma_wait3A_417 : memref<1x80xi32, #tpu.memory_space<vmem>> -> memref<80xi32, #tpu.memory_space<vmem>>
    %dma_wait3A_419 = arith.constant 0 : i32
    %dma_wait3A_420 = arith.constant 0 : i32
    %dma_wait3A_421 = tpu.memref_slice %arg9[%dma_wait3A_419, %dma_wait3A_420] : memref<10240x128xf32, #tpu.memory_space<vmem_shared>> -> memref<10240x128xf32, #tpu.memory_space<vmem_shared>>
    %dma_wait3A_422 = tpu.memref_slice %arg11[%dma_wait3A_411] : memref<4x!tpu.dma_semaphore, #tpu.memory_space<semaphore_mem>> -> memref<1x!tpu.dma_semaphore, #tpu.memory_space<semaphore_mem>>
    %dma_wait3A_423 = tpu.memref_squeeze %dma_wait3A_422 : memref<1x!tpu.dma_semaphore, #tpu.memory_space<semaphore_mem>> -> memref<!tpu.dma_semaphore, #tpu.memory_space<semaphore_mem>>
    tpu.wait_indirect_dma semaphore(%dma_wait3A_423 : memref<!tpu.dma_semaphore, #tpu.memory_space<semaphore_mem>>) src(%dma_wait3A_415 : memref<80x128xf32, #tpu.memory_space<vmem>>) dst(%dma_wait3A_421 : memref<10240x128xf32, #tpu.memory_space<vmem_shared>>)
    %dma_wait3A_424 = arith.constant 0 : i32
    %dma_wait3A_425 = arith.constant 0 : i32
    %dma_wait3A_426 = arith.constant 0 : i32
    %dma_wait3A_427 = arith.constant 0 : i32
    %dma_wait3A_428 = arith.constant 0 : i32
    %dma_wait3A_429 = tpu.memref_slice %arg7[%dma_wait3A_424, %dma_wait3A_427, %dma_wait3A_428] : memref<4x80x128xf32, #tpu.memory_space<vmem>> -> memref<1x80x128xf32, #tpu.memory_space<vmem>>
    %dma_wait3A_430 = tpu.memref_squeeze %dma_wait3A_429 : memref<1x80x128xf32, #tpu.memory_space<vmem>> -> memref<80x128xf32, #tpu.memory_space<vmem>>
    %dma_wait3A_431 = arith.constant 0 : i32
    %dma_wait3A_432 = tpu.memref_slice %arg6[%dma_wait3A_425, %dma_wait3A_431] : memref<4x80xi32, #tpu.memory_space<vmem>> -> memref<1x80xi32, #tpu.memory_space<vmem>>
    %dma_wait3A_433 = tpu.memref_squeeze %dma_wait3A_432 : memref<1x80xi32, #tpu.memory_space<vmem>> -> memref<80xi32, #tpu.memory_space<vmem>>
    %dma_wait3A_434 = arith.constant 0 : i32
    %dma_wait3A_435 = arith.constant 0 : i32
    %dma_wait3A_436 = tpu.memref_slice %arg9[%dma_wait3A_434, %dma_wait3A_435] : memref<10240x128xf32, #tpu.memory_space<vmem_shared>> -> memref<10240x128xf32, #tpu.memory_space<vmem_shared>>
    %dma_wait3A_437 = tpu.memref_slice %arg11[%dma_wait3A_426] : memref<4x!tpu.dma_semaphore, #tpu.memory_space<semaphore_mem>> -> memref<1x!tpu.dma_semaphore, #tpu.memory_space<semaphore_mem>>
    %dma_wait3A_438 = tpu.memref_squeeze %dma_wait3A_437 : memref<1x!tpu.dma_semaphore, #tpu.memory_space<semaphore_mem>> -> memref<!tpu.dma_semaphore, #tpu.memory_space<semaphore_mem>>
    tpu.wait_indirect_dma semaphore(%dma_wait3A_438 : memref<!tpu.dma_semaphore, #tpu.memory_space<semaphore_mem>>) src(%dma_wait3A_430 : memref<80x128xf32, #tpu.memory_space<vmem>>) dst(%dma_wait3A_436 : memref<10240x128xf32, #tpu.memory_space<vmem_shared>>)
    %barrier3A_439 = arith.constant 0 : index
    tpu.barrier barrier_id(%barrier3A_439)
    %mul3A_440 = arith.constant 640 : i32
    %mul3A_441 = arith.muli %arg1, %mul3A_440 : i32
    %mul3A_442 = arith.constant 640 : i32
    %mul3A_443 = arith.muli %arg1, %mul3A_442 : i32
    "tpu.region"() ({
      %run_scoped3A = tpu.sem_alloc : memref<!tpu.dma_semaphore, #tpu.memory_space<semaphore_mem>>
      %dma_start3A_444 = arith.constant 0 : i32
      %dma_start3A_445 = tpu.memref_slice %arg4[%arg0, %mul3A_443, %dma_start3A_444] : memref<2x10240x128xf32, #tpu.memory_space<hbm>> -> memref<1x640x128xf32, #tpu.memory_space<hbm>>
      %dma_start3A_446 = tpu.memref_squeeze %dma_start3A_445 : memref<1x640x128xf32, #tpu.memory_space<hbm>> -> memref<640x128xf32, #tpu.memory_space<hbm>>
      %dma_start3A_447 = arith.constant 0 : i32
      %dma_start3A_448 = tpu.memref_slice %arg9[%mul3A_441, %dma_start3A_447] : memref<10240x128xf32, #tpu.memory_space<vmem_shared>> -> memref<640x128xf32, #tpu.memory_space<vmem_shared>>
      tpu.enqueue_dma source(%dma_start3A_448 : memref<640x128xf32, #tpu.memory_space<vmem_shared>>) target(%dma_start3A_446 : memref<640x128xf32, #tpu.memory_space<hbm>>) target_semaphore(%run_scoped3A : memref<!tpu.dma_semaphore, #tpu.memory_space<semaphore_mem>>)
      %dma_wait3A_449 = arith.constant 0 : i32
      %dma_wait3A_450 = tpu.memref_slice %arg4[%arg0, %mul3A_443, %dma_wait3A_449] : memref<2x10240x128xf32, #tpu.memory_space<hbm>> -> memref<1x640x128xf32, #tpu.memory_space<hbm>>
      %dma_wait3A_451 = tpu.memref_squeeze %dma_wait3A_450 : memref<1x640x128xf32, #tpu.memory_space<hbm>> -> memref<640x128xf32, #tpu.memory_space<hbm>>
      %dma_wait3A_452 = arith.constant 0 : i32
      %dma_wait3A_453 = tpu.memref_slice %arg9[%mul3A_441, %dma_wait3A_452] : memref<10240x128xf32, #tpu.memory_space<vmem_shared>> -> memref<640x128xf32, #tpu.memory_space<vmem_shared>>
      tpu.wait_dma2 semaphore(%run_scoped3A : memref<!tpu.dma_semaphore, #tpu.memory_space<semaphore_mem>>) src(%dma_wait3A_453 : memref<640x128xf32, #tpu.memory_space<vmem_shared>>) dst(%dma_wait3A_451 : memref<640x128xf32, #tpu.memory_space<hbm>>)
      tpu.yield
    }) : () -> ()
    return
  }
}

module attributes {stable_mosaic.version = 14 : i64} {
  func.func @_tc_mlp_body(%arg0: memref<2x10240x128xf32, #tpu.memory_space<vmem>>, %arg1: memref<10000x128xf32, #tpu.memory_space<vmem>>, %arg2: memref<128x128xf32, #tpu.memory_space<vmem>>, %arg3: memref<128x128xf32, #tpu.memory_space<vmem>>, %arg4: memref<128x128xf32, #tpu.memory_space<vmem>>, %arg5: memref<128x128xf32, #tpu.memory_space<vmem>>, %arg6: memref<128x128xf32, #tpu.memory_space<vmem>>, %arg7: memref<128x128xf32, #tpu.memory_space<vmem>>, %arg8: memref<1x128xf32, #tpu.memory_space<vmem>>, %arg9: memref<1x128xf32, #tpu.memory_space<vmem>>, %arg10: memref<1x128xf32, #tpu.memory_space<vmem>>, %arg11: memref<1x128xf32, #tpu.memory_space<vmem>>, %arg12: memref<1x128xf32, #tpu.memory_space<vmem>>, %arg13: memref<1x128xf32, #tpu.memory_space<vmem>>, %arg14: memref<1x128xf32, #tpu.memory_space<vmem>>, %arg15: memref<1x128xf32, #tpu.memory_space<vmem>>, %arg16: memref<1x128xf32, #tpu.memory_space<vmem>>, %arg17: memref<1x128xf32, #tpu.memory_space<vmem>>, %arg18: memref<1x128xf32, #tpu.memory_space<vmem>>, %arg19: memref<10000x128xf32, #tpu.memory_space<vmem>>) attributes {dimension_semantics = [], scalar_prefetch = 0 : i64, scratch_operands = 0 : i64, tpu.core_type = #tpu.core_type<tc>} {
    %get3A = arith.constant 0 : index
    %get3A_0 = arith.constant 0 : index
    %get3A_1 = arith.constant 0 : index
    %get3A_2 = vector.load %arg0[%get3A, %get3A_0, %get3A_1] : memref<2x10240x128xf32, #tpu.memory_space<vmem>>, vector<1x10000x128xf32>
    %get3A_3 = vector.shape_cast %get3A_2 : vector<1x10000x128xf32> to vector<10000x128xf32>
    %get3A_4 = arith.constant 1 : index
    %get3A_5 = arith.constant 0 : index
    %get3A_6 = arith.constant 0 : index
    %get3A_7 = vector.load %arg0[%get3A_4, %get3A_5, %get3A_6] : memref<2x10240x128xf32, #tpu.memory_space<vmem>>, vector<1x10000x128xf32>
    %get3A_8 = vector.shape_cast %get3A_7 : vector<1x10000x128xf32> to vector<10000x128xf32>
    %add3A = arith.addf %get3A_3, %get3A_8 : vector<10000x128xf32>
    %get3A_9 = arith.constant 0 : index
    %get3A_10 = arith.constant 0 : index
    %get3A_11 = vector.load %arg8[%get3A_9, %get3A_10] : memref<1x128xf32, #tpu.memory_space<vmem>>, vector<1x128xf32>
    %add3A_12 = vector.broadcast %get3A_11 : vector<1x128xf32> to vector<10000x128xf32>
    %add3A_13 = arith.addf %add3A, %add3A_12 : vector<10000x128xf32>
    %get3A_14 = arith.constant 0 : index
    %get3A_15 = arith.constant 0 : index
    %get3A_16 = vector.load %arg2[%get3A_14, %get3A_15] : memref<128x128xf32, #tpu.memory_space<vmem>>, vector<128x128xf32>
    %dot_general3A = arith.constant dense<0.000000e+00> : vector<10000x128xf32>
    %dot_general3A_17 = tpu.matmul %add3A_13, %get3A_16, %dot_general3A {dimension_numbers = #tpu.dot_dimension_numbers<[1], [0], [0], [1], [0, 0, 1, 1], [], []>, transpose_lhs_hint = false} : vector<10000x128xf32>, vector<128x128xf32>, vector<10000x128xf32> -> vector<10000x128xf32>
    %add3A_18 = arith.addf %add3A_13, %dot_general3A_17 : vector<10000x128xf32>
    %get3A_19 = arith.constant 0 : index
    %get3A_20 = arith.constant 0 : index
    %get3A_21 = vector.load %arg9[%get3A_19, %get3A_20] : memref<1x128xf32, #tpu.memory_space<vmem>>, vector<1x128xf32>
    %add3A_22 = vector.broadcast %get3A_21 : vector<1x128xf32> to vector<10000x128xf32>
    %add3A_23 = arith.addf %add3A_18, %add3A_22 : vector<10000x128xf32>
    %get3A_24 = arith.constant 0 : index
    %get3A_25 = arith.constant 0 : index
    %get3A_26 = vector.load %arg1[%get3A_24, %get3A_25] : memref<10000x128xf32, #tpu.memory_space<vmem>>, vector<10000x128xf32>
    %get3A_27 = arith.constant 0 : index
    %get3A_28 = arith.constant 0 : index
    %get3A_29 = vector.load %arg3[%get3A_27, %get3A_28] : memref<128x128xf32, #tpu.memory_space<vmem>>, vector<128x128xf32>
    %dot_general3A_30 = arith.constant dense<0.000000e+00> : vector<10000x128xf32>
    %dot_general3A_31 = tpu.matmul %get3A_26, %get3A_29, %dot_general3A_30 {dimension_numbers = #tpu.dot_dimension_numbers<[1], [0], [0], [1], [0, 0, 1, 1], [], []>, transpose_lhs_hint = false} : vector<10000x128xf32>, vector<128x128xf32>, vector<10000x128xf32> -> vector<10000x128xf32>
    %get3A_32 = arith.constant 0 : index
    %get3A_33 = arith.constant 0 : index
    %get3A_34 = vector.load %arg10[%get3A_32, %get3A_33] : memref<1x128xf32, #tpu.memory_space<vmem>>, vector<1x128xf32>
    %add3A_35 = vector.broadcast %get3A_34 : vector<1x128xf32> to vector<10000x128xf32>
    %add3A_36 = arith.addf %dot_general3A_31, %add3A_35 : vector<10000x128xf32>
    %add3A_37 = arith.addf %add3A_23, %add3A_36 : vector<10000x128xf32>
    %get3A_38 = arith.constant 0 : index
    %get3A_39 = arith.constant 0 : index
    %get3A_40 = vector.load %arg4[%get3A_38, %get3A_39] : memref<128x128xf32, #tpu.memory_space<vmem>>, vector<128x128xf32>
    %dot_general3A_41 = arith.constant dense<0.000000e+00> : vector<10000x128xf32>
    %dot_general3A_42 = tpu.matmul %add3A_36, %get3A_40, %dot_general3A_41 {dimension_numbers = #tpu.dot_dimension_numbers<[1], [0], [0], [1], [0, 0, 1, 1], [], []>, transpose_lhs_hint = false} : vector<10000x128xf32>, vector<128x128xf32>, vector<10000x128xf32> -> vector<10000x128xf32>
    %add3A_43 = arith.addf %add3A_37, %dot_general3A_42 : vector<10000x128xf32>
    %get3A_44 = arith.constant 0 : index
    %get3A_45 = arith.constant 0 : index
    %get3A_46 = vector.load %arg11[%get3A_44, %get3A_45] : memref<1x128xf32, #tpu.memory_space<vmem>>, vector<1x128xf32>
    %add3A_47 = vector.broadcast %get3A_46 : vector<1x128xf32> to vector<10000x128xf32>
    %add3A_48 = arith.addf %add3A_43, %add3A_47 : vector<10000x128xf32>
    %max3A = arith.constant 0.000000e+00 : f32
    %max3A_49 = vector.broadcast %max3A : f32 to vector<10000x128xf32>
    %max3A_50 = arith.maximumf %add3A_48, %max3A_49 : vector<10000x128xf32>
    %get3A_51 = arith.constant 0 : index
    %get3A_52 = arith.constant 0 : index
    %get3A_53 = vector.load %arg5[%get3A_51, %get3A_52] : memref<128x128xf32, #tpu.memory_space<vmem>>, vector<128x128xf32>
    %dot_general3A_54 = arith.constant dense<0.000000e+00> : vector<10000x128xf32>
    %dot_general3A_55 = tpu.matmul %max3A_50, %get3A_53, %dot_general3A_54 {dimension_numbers = #tpu.dot_dimension_numbers<[1], [0], [0], [1], [0, 0, 1, 1], [], []>, transpose_lhs_hint = false} : vector<10000x128xf32>, vector<128x128xf32>, vector<10000x128xf32> -> vector<10000x128xf32>
    %get3A_56 = arith.constant 0 : index
    %get3A_57 = arith.constant 0 : index
    %get3A_58 = vector.load %arg12[%get3A_56, %get3A_57] : memref<1x128xf32, #tpu.memory_space<vmem>>, vector<1x128xf32>
    %add3A_59 = vector.broadcast %get3A_58 : vector<1x128xf32> to vector<10000x128xf32>
    %add3A_60 = arith.addf %dot_general3A_55, %add3A_59 : vector<10000x128xf32>
    %max3A_61 = arith.constant 0.000000e+00 : f32
    %max3A_62 = vector.broadcast %max3A_61 : f32 to vector<10000x128xf32>
    %max3A_63 = arith.maximumf %add3A_60, %max3A_62 : vector<10000x128xf32>
    %reduce_sum3A = arith.constant dense<0.000000e+00> : vector<128xf32>
    %reduce_sum3A_64 = vector.multi_reduction <add>, %max3A_63, %reduce_sum3A [0] : vector<10000x128xf32> to vector<128xf32>
    %broadcast_in_dim3A = vector.shape_cast %reduce_sum3A_64 : vector<128xf32> to vector<1x128xf32>
    %div3A = arith.constant 1.000000e+04 : f32
    %div3A_65 = vector.broadcast %div3A : f32 to vector<1x128xf32>
    %div3A_66 = arith.divf %broadcast_in_dim3A, %div3A_65 : vector<1x128xf32>
    %sub3A = vector.broadcast %div3A_66 : vector<1x128xf32> to vector<10000x128xf32>
    %sub3A_67 = arith.subf %max3A_63, %sub3A : vector<10000x128xf32>
    %sub3A_68 = vector.broadcast %div3A_66 : vector<1x128xf32> to vector<10000x128xf32>
    %sub3A_69 = arith.subf %max3A_63, %sub3A_68 : vector<10000x128xf32>
    %mul3A = arith.mulf %sub3A_67, %sub3A_69 : vector<10000x128xf32>
    %reduce_sum3A_70 = arith.constant dense<0.000000e+00> : vector<128xf32>
    %reduce_sum3A_71 = vector.multi_reduction <add>, %mul3A, %reduce_sum3A_70 [0] : vector<10000x128xf32> to vector<128xf32>
    %broadcast_in_dim3A_72 = vector.shape_cast %reduce_sum3A_71 : vector<128xf32> to vector<1x128xf32>
    %div3A_73 = arith.constant 1.000000e+04 : f32
    %div3A_74 = vector.broadcast %div3A_73 : f32 to vector<1x128xf32>
    %div3A_75 = arith.divf %broadcast_in_dim3A_72, %div3A_74 : vector<1x128xf32>
    %sub3A_76 = vector.broadcast %div3A_66 : vector<1x128xf32> to vector<10000x128xf32>
    %sub3A_77 = arith.subf %max3A_63, %sub3A_76 : vector<10000x128xf32>
    %add3A_78 = arith.constant 9.99999974E-6 : f32
    %add3A_79 = vector.broadcast %add3A_78 : f32 to vector<1x128xf32>
    %add3A_80 = arith.addf %div3A_75, %add3A_79 : vector<1x128xf32>
    %rsqrt3A = math.rsqrt %add3A_80 : vector<1x128xf32>
    %mul3A_81 = vector.broadcast %rsqrt3A : vector<1x128xf32> to vector<10000x128xf32>
    %mul3A_82 = arith.mulf %sub3A_77, %mul3A_81 : vector<10000x128xf32>
    %get3A_83 = arith.constant 0 : index
    %get3A_84 = arith.constant 0 : index
    %get3A_85 = vector.load %arg13[%get3A_83, %get3A_84] : memref<1x128xf32, #tpu.memory_space<vmem>>, vector<1x128xf32>
    %mul3A_86 = vector.broadcast %get3A_85 : vector<1x128xf32> to vector<10000x128xf32>
    %mul3A_87 = arith.mulf %mul3A_82, %mul3A_86 : vector<10000x128xf32>
    %get3A_88 = arith.constant 0 : index
    %get3A_89 = arith.constant 0 : index
    %get3A_90 = vector.load %arg14[%get3A_88, %get3A_89] : memref<1x128xf32, #tpu.memory_space<vmem>>, vector<1x128xf32>
    %add3A_91 = vector.broadcast %get3A_90 : vector<1x128xf32> to vector<10000x128xf32>
    %add3A_92 = arith.addf %mul3A_87, %add3A_91 : vector<10000x128xf32>
    %get3A_93 = arith.constant 0 : index
    %get3A_94 = arith.constant 0 : index
    %get3A_95 = vector.load %arg6[%get3A_93, %get3A_94] : memref<128x128xf32, #tpu.memory_space<vmem>>, vector<128x128xf32>
    %dot_general3A_96 = arith.constant dense<0.000000e+00> : vector<10000x128xf32>
    %dot_general3A_97 = tpu.matmul %add3A_92, %get3A_95, %dot_general3A_96 {dimension_numbers = #tpu.dot_dimension_numbers<[1], [0], [0], [1], [0, 0, 1, 1], [], []>, transpose_lhs_hint = false} : vector<10000x128xf32>, vector<128x128xf32>, vector<10000x128xf32> -> vector<10000x128xf32>
    %get3A_98 = arith.constant 0 : index
    %get3A_99 = arith.constant 0 : index
    %get3A_100 = vector.load %arg15[%get3A_98, %get3A_99] : memref<1x128xf32, #tpu.memory_space<vmem>>, vector<1x128xf32>
    %add3A_101 = vector.broadcast %get3A_100 : vector<1x128xf32> to vector<10000x128xf32>
    %add3A_102 = arith.addf %dot_general3A_97, %add3A_101 : vector<10000x128xf32>
    %reduce_sum3A_103 = arith.constant dense<0.000000e+00> : vector<128xf32>
    %reduce_sum3A_104 = vector.multi_reduction <add>, %add3A_102, %reduce_sum3A_103 [0] : vector<10000x128xf32> to vector<128xf32>
    %broadcast_in_dim3A_105 = vector.shape_cast %reduce_sum3A_104 : vector<128xf32> to vector<1x128xf32>
    %div3A_106 = arith.constant 1.000000e+04 : f32
    %div3A_107 = vector.broadcast %div3A_106 : f32 to vector<1x128xf32>
    %div3A_108 = arith.divf %broadcast_in_dim3A_105, %div3A_107 : vector<1x128xf32>
    %sub3A_109 = vector.broadcast %div3A_108 : vector<1x128xf32> to vector<10000x128xf32>
    %sub3A_110 = arith.subf %add3A_102, %sub3A_109 : vector<10000x128xf32>
    %sub3A_111 = vector.broadcast %div3A_108 : vector<1x128xf32> to vector<10000x128xf32>
    %sub3A_112 = arith.subf %add3A_102, %sub3A_111 : vector<10000x128xf32>
    %mul3A_113 = arith.mulf %sub3A_110, %sub3A_112 : vector<10000x128xf32>
    %reduce_sum3A_114 = arith.constant dense<0.000000e+00> : vector<128xf32>
    %reduce_sum3A_115 = vector.multi_reduction <add>, %mul3A_113, %reduce_sum3A_114 [0] : vector<10000x128xf32> to vector<128xf32>
    %broadcast_in_dim3A_116 = vector.shape_cast %reduce_sum3A_115 : vector<128xf32> to vector<1x128xf32>
    %div3A_117 = arith.constant 1.000000e+04 : f32
    %div3A_118 = vector.broadcast %div3A_117 : f32 to vector<1x128xf32>
    %div3A_119 = arith.divf %broadcast_in_dim3A_116, %div3A_118 : vector<1x128xf32>
    %sub3A_120 = vector.broadcast %div3A_108 : vector<1x128xf32> to vector<10000x128xf32>
    %sub3A_121 = arith.subf %add3A_102, %sub3A_120 : vector<10000x128xf32>
    %add3A_122 = arith.constant 9.99999974E-6 : f32
    %add3A_123 = vector.broadcast %add3A_122 : f32 to vector<1x128xf32>
    %add3A_124 = arith.addf %div3A_119, %add3A_123 : vector<1x128xf32>
    %rsqrt3A_125 = math.rsqrt %add3A_124 : vector<1x128xf32>
    %mul3A_126 = vector.broadcast %rsqrt3A_125 : vector<1x128xf32> to vector<10000x128xf32>
    %mul3A_127 = arith.mulf %sub3A_121, %mul3A_126 : vector<10000x128xf32>
    %get3A_128 = arith.constant 0 : index
    %get3A_129 = arith.constant 0 : index
    %get3A_130 = vector.load %arg16[%get3A_128, %get3A_129] : memref<1x128xf32, #tpu.memory_space<vmem>>, vector<1x128xf32>
    %mul3A_131 = vector.broadcast %get3A_130 : vector<1x128xf32> to vector<10000x128xf32>
    %mul3A_132 = arith.mulf %mul3A_127, %mul3A_131 : vector<10000x128xf32>
    %get3A_133 = arith.constant 0 : index
    %get3A_134 = arith.constant 0 : index
    %get3A_135 = vector.load %arg17[%get3A_133, %get3A_134] : memref<1x128xf32, #tpu.memory_space<vmem>>, vector<1x128xf32>
    %add3A_136 = vector.broadcast %get3A_135 : vector<1x128xf32> to vector<10000x128xf32>
    %add3A_137 = arith.addf %mul3A_132, %add3A_136 : vector<10000x128xf32>
    %max3A_138 = arith.constant 0.000000e+00 : f32
    %max3A_139 = vector.broadcast %max3A_138 : f32 to vector<10000x128xf32>
    %max3A_140 = arith.maximumf %add3A_137, %max3A_139 : vector<10000x128xf32>
    %get3A_141 = arith.constant 0 : index
    %get3A_142 = arith.constant 0 : index
    %get3A_143 = vector.load %arg7[%get3A_141, %get3A_142] : memref<128x128xf32, #tpu.memory_space<vmem>>, vector<128x128xf32>
    %dot_general3A_144 = arith.constant dense<0.000000e+00> : vector<10000x128xf32>
    %dot_general3A_145 = tpu.matmul %max3A_140, %get3A_143, %dot_general3A_144 {dimension_numbers = #tpu.dot_dimension_numbers<[1], [0], [0], [1], [0, 0, 1, 1], [], []>, transpose_lhs_hint = false} : vector<10000x128xf32>, vector<128x128xf32>, vector<10000x128xf32> -> vector<10000x128xf32>
    %get3A_146 = arith.constant 0 : index
    %get3A_147 = arith.constant 0 : index
    %get3A_148 = vector.load %arg18[%get3A_146, %get3A_147] : memref<1x128xf32, #tpu.memory_space<vmem>>, vector<1x128xf32>
    %add3A_149 = vector.broadcast %get3A_148 : vector<1x128xf32> to vector<10000x128xf32>
    %add3A_150 = arith.addf %dot_general3A_145, %add3A_149 : vector<10000x128xf32>
    %swap3A = arith.constant 0 : index
    %swap3A_151 = arith.constant 0 : index
    %swap3A_152 = vector.load %arg19[%swap3A, %swap3A_151] : memref<10000x128xf32, #tpu.memory_space<vmem>>, vector<10000x128xf32>
    tpu.vector_store %arg19[%swap3A, %swap3A_151], %add3A_150 {strides = array<i32>} : memref<10000x128xf32, #tpu.memory_space<vmem>>, vector<10000x128xf32>,
    return
  }
}

</mosaic_0001>

<sc_bundles>
// kernel: kernel.4.cloned.1.call-start
scs
__scs_entry_jumppad:
0x0: {  	(pc) =	sbr.rel $0x88, $3  }
0x1: {  	(tag) =	ssettag $0x0;
	lr =	simm.s32 $0x1  }
0x2: {  	[smem:$0x3F8D] =	sst lr;
	_ =	strace $0xD0000000  }
0x3: {  	_ = 	snop  }
0x4: {  	_ = 	snop  }
0x5: {  	_ = 	snop  }
0x6: {  	_ = 	snop  }
0x7: {  	_ = 	snop  }
__scs_overlays_trampoline_lowered:
0x8: {  	[smem:$0x3F9C] =	sst s0  }
0x9: {  	[smem:$0x3F9D] =	sst s1  }
0xa: {  	[smem:$0x3F9E] =	sst s2  }
0xb: {  	[smem:$0x3F9F] =	sst s3  }
0xc: {  	[smem:$0x3FA0] =	sst s4  }
0xd: {  	[smem:$0x3FA1] =	sst s5  }
0xe: {  	[smem:$0x3FA2] =	sst s6  }
0xf: {  	[smem:$0x3FA3] =	sst s7  }
0x10: {  	[smem:$0x3FA4] =	sst s8  }
0x11: {  	[smem:$0x3FA5] =	sst s9;
	s0 =	simm.s32 @!p0 $0x0  }
0x12: {  	s1 =	sld [smem:$0x3F8B];
	s0 =	simm.s32 @p0 $0x1  }
0x13: {  	[smem:$0x3FA6] =	sst s0;
	s0 =	simm.s32 @!p1 $0x0  }
0x14: {  	s2 =	sld [smem:$0x3F8A];
	s0 =	simm.s32 @p1 $0x1  }
0x15: {  	[smem:$0x3FA7] =	sst s0;
	s0 =	simm.s32 @!p2 $0x0  }
0x16: {  	s3 =	sld [smem:$0x3FDB];
	s0 =	simm.s32 @p2 $0x1  }
0x17: {  	s4 =	simm.s32 $0x1BF5;
	[smem:$0x3FA9] =	sst s0  }
0x18: {  	s0 =	sld [smem:$0x3F8C];
	_ =	swait.ge [sflag:s4], $0x0  }
0x19: {  	s7 =	sld [smem:$0x3F8D]  }
0x1a: {  	s8 =	sadd.s32 $0xFFFFE003, lr  }
0x1b: {  	s9 =	sadd.s32 $0xFFFFFEF7, lr;
	s5 =	simm.s32 $0xFFFFFFFF;
	p2 =	slt.u32 s8, $0xFFFFF086  }
0x1c: {  	p1 =	slt.u32 s9, $0xF7A;
	s5 =	simm.s32 @!p2 $0x0  }
0x1d: {  	s5 =	simm.s32 @p1 $0x1;
	p0 =	seq.s32 s7, s2  }
0x1e: {  	s7 =	smul.u32 @!p0 $0xF7A, s2;
	p2 =	seq.s32 @!p0 s5, $0x0  }
0x1f: {  	s9 =	smul.u32 $0xF7A, s1;
	s8 =	simm.s32 @!p0 $0x1BF5;
	p2 =	por !p2, p0  }
0x20: {  	[sflag:s8] =	ssyncset.s32 @!p0 $0xFFFFF086;
	s6 =	sadd.s32 @!p0 s3, s7;
	s7 =	simm.s32 @!p0 $0x108  }
0x21: {  	s3 =	sadd.s32 s3, s9;
	s6 =	sadd.s32 @!p0 $0x88, s6;
	s7 =	simm.s32 @p2 $0x1082  }
0x22: {  	[simem:s7], [sflag:s8] =	dma.local @!p0 [hbm:s6], $0xF7A  }
0x23: {  	s9 =	sor.u32 $0xD0000000, s2;
	s6 =	simm.s32 $0x108;
	_ =	swait.ge @!p0 [sflag:s8], $0x0  }
0x24: {  	s3 =	sadd.s32 $0x88, s3;
	s6 =	simm.s32 @!p1 $0x1082;
	[sflag:s4] =	ssyncset.s32 $0xFFFFF086  }
0x25: {  	[simem:s6], [sflag:s4] =	dma.local [hbm:s3], $0xF7A  }
0x26: {  	[smem:$0x3F8D] =	sst s1;
	(tag) =	ssettag s2;
	_ =	strace s9  }
0x27: {  	s1 =	sld [smem:$0x3F9D]  }
0x28: {  	s2 =	sld [smem:$0x3F9E]  }
0x29: {  	s4 =	sld [smem:$0x3FA0]  }
0x2a: {  	p0 =	seq.s32 s5, $0x0;
	s5 =	sld [smem:$0x3FA1]  }
0x2b: {  	s6 =	sld [smem:$0x3FA2]  }
0x2c: {  	s7 =	sld [smem:$0x3FA3]  }
0x2d: {  	s3 =	simm.s32 $0x108;
	s8 =	sld [smem:$0x3FA4]  }
0x2e: {  	s3 =	simm.s32 @!p0 $0x1082;
	s9 =	sld [smem:$0x3FA5]  }
0x2f: {  	lr =	sadd.s32 s0, s3;
	s0 =	sld [smem:$0x3F9C]  }
0x30: {  	s3 =	sld [smem:$0x3F9F]  }
0x31: {  	[smem:$0x3FA8] =	sst s10  }
0x32: {  	s10 =	sld [smem:$0x3FA6];
	_ =	sdelay $0x3  }
0x33: {  	p0 =	seq.s32 s10, $0x1;
	s10 =	sld [smem:$0x3FA8];
	_ =	sdelay $0x3  }
0x34: {  	[smem:$0x3FA8] =	sst s10  }
0x35: {  	s10 =	sld [smem:$0x3FA7];
	_ =	sdelay $0x3  }
0x36: {  	p1 =	seq.s32 s10, $0x1;
	s10 =	sld [smem:$0x3FA8];
	_ =	sdelay $0x3  }
0x37: {  	[smem:$0x3FA8] =	sst s10  }
0x38: {  	s10 =	sld [smem:$0x3FA9]  }
0x39: {  	_ = 	snop;
	(pc) =	sbr.ind lr, $3  }
0x3a: {  	_ = 	snop  }
0x3b: {  	_ = 	snop  }
0x3c: {  	p2 =	seq.s32 s10, $0x1;
	s10 =	sld [smem:$0x3FA8]  }
0x3d: {  	_ =	shalt  }
0x3e: {  	_ =	shalt  }
0x3f: {  	_ =	shalt  }
0x40: {  	_ =	shalt  }
0x41: {  	_ =	shalt  }
0x42: {  	_ =	shalt  }
0x43: {  	_ =	shalt  }
0x44: {  	_ =	shalt  }
0x45: {  	_ =	shalt  }
0x46: {  	_ =	shalt  }
0x47: {  	_ =	shalt  }
0x48: {  	_ =	shalt  }
0x49: {  	_ =	shalt  }
0x4a: {  	_ =	shalt  }
0x4b: {  	_ =	shalt  }
0x4c: {  	_ =	shalt  }
0x4d: {  	_ =	shalt  }
0x4e: {  	_ =	shalt  }
0x4f: {  	_ =	shalt  }
0x50: {  	_ =	shalt  }
0x51: {  	_ =	shalt  }
0x52: {  	_ =	shalt  }
0x53: {  	_ =	shalt  }
0x54: {  	_ =	shalt  }
0x55: {  	_ =	shalt  }
0x56: {  	_ =	shalt  }
0x57: {  	_ =	shalt  }
0x58: {  	_ =	shalt  }
0x59: {  	_ =	shalt  }
0x5a: {  	_ =	shalt  }
0x5b: {  	_ =	shalt  }
0x5c: {  	_ =	shalt  }
0x5d: {  	_ =	shalt  }
0x5e: {  	_ =	shalt  }
0x5f: {  	_ =	shalt  }
0x60: {  	_ =	shalt  }
0x61: {  	_ =	shalt  }
0x62: {  	_ =	shalt  }
0x63: {  	_ =	shalt  }
0x64: {  	_ =	shalt  }
0x65: {  	_ =	shalt  }
0x66: {  	_ =	shalt  }
0x67: {  	_ =	shalt  }
0x68: {  	_ =	shalt  }
0x69: {  	_ =	shalt  }
0x6a: {  	_ =	shalt  }
0x6b: {  	_ =	shalt  }
0x6c: {  	_ =	shalt  }
0x6d: {  	_ =	shalt  }
0x6e: {  	_ =	shalt  }
0x6f: {  	_ =	shalt  }
0x70: {  	_ =	shalt  }
0x71: {  	_ =	shalt  }
0x72: {  	_ =	shalt  }
0x73: {  	_ =	shalt  }
0x74: {  	_ =	shalt  }
0x75: {  	_ =	shalt  }
0x76: {  	_ =	shalt  }
0x77: {  	_ =	shalt  }
0x78: {  	_ =	shalt  }
0x79: {  	_ =	shalt  }
0x7a: {  	_ =	shalt  }
0x7b: {  	_ =	shalt  }
0x7c: {  	_ =	shalt  }
0x7d: {  	_ =	shalt  }
0x7e: {  	_ =	shalt  }
0x7f: {  	_ =	shalt  }
0x80: {  	_ =	shalt  }
0x81: {  	_ =	shalt  }
0x82: {  	_ =	shalt  }
0x83: {  	_ =	shalt  }
0x84: {  	_ =	shalt  }
0x85: {  	_ =	shalt  }
0x86: {  	_ =	shalt  }
0x87: {  	_ =	shalt  }
.Lfunc_end0:
.L_simem_size_0:
called_computation_lowered:
.L_overlay_start_0:
0x88: {  	s2 =	sld [smem:$0x3FD9]  }
0x89: {  	s3 =	sld [smem:$0x3FFE];
	_ =	sdelay $0x1  }
0x8a: {  	s1 =	srdreg.scid  }
0x8b: {  	s0 =	sand.u32 $0x1, s1  }
0x8c: {  	s17 =	sshll.u32 s0, $0xA;
	s2 =	sadd.s32 s3, s2  }
0x8d: {  	s2 =	sadd.s32 s2, s17  }
0x8e: {  	[smem:$0x3FB4] =	sst s2  }
0x8f: {  	_ = 	snop  }
0x90: {  	s2 =	sld [smem:$0x3FC7]  }
0x91: {  	s18 =	sld [smem:$0x3FD0];
	(tm) =	ssettm $0x1  }
0x92: {  	s4 =	sld [smem:$0x3FFB];
	_ =	sdelay $0x3  }
0x93: {  	_ =	strace s4  }
0x94: {  	s4 =	sld [smem:$0x3FFC];
	_ =	sdelay $0x3  }
0x95: {  	_ =	strace s4  }
0x96: {  	s4 =	sld [smem:$0x3FFD];
	_ =	sdelay $0x3  }
0x97: {  	_ =	strace s4  }
0x98: {  	_ =	strace $0x8FFFFFFF  }
0x99: {  	s19 =	sld [smem:$0x3FDB];
	_ =	sdelay $0x1  }
0x9a: {  	s5 =	simm.s32 $_scs_section_size  }
0x9b: {  	s6 =	simm.s32 $_size__tile_overlayer_lowered;
	s7 =	simm.s32 $_tile_overlayer_lowered  }
0x9c: {  	s22 =	simm.s32 $0x1BFF;
	s21 =	sshll.u32 s7, $0x1;
	s4 =	sadd.s32 s5, s19  }
0x9d: {  	s8 =	simm.s32 $0x0;
	s20 =	sshll.u32 s6, $0x1;
	s6 =	sadd.s32 s21, s4  }
0x9e: {  	[timem:s8], [sflag:s22] =	dma.local [hbm:s6], s20  }
0x9f: {  	_ =	swait.ge [sflag:s22], s20  }
0xa0: {  	s5 =	ssub.s32 $0x0, s20;
	[sflag:s22] =	ssyncset.done $0x0  }
0xa1: {  	[sflag:s22] =	ssyncadd.s32 s5;
	_ =	sdelay $0x1  }
0xa2: {  	s23 =	simm.s32 $0x1B8B  }
0xa3: {  	_ =	swait.ge [sflag:s23], $0x1  }
0xa4: {  	[sflag:s23] =	ssyncset.done $0x0  }
0xa5: {  	s25 =	simm.s32 $0x1B8E;
	s24 =	sld [smem:$0x3FFE];
	[sflag:s23] =	ssyncadd.s32 $0xFFFFFFFF  }
0xa6: {  	s26 =	simm.s32 $execute0_lowered;
	[smem:$0x3FD2] =	sst s25  }
0xa7: {  	s6 =	sshll.u32 s26, $0x1;
	_ =	strace $0x80000046;
	[dreg:$0x1] =	wrdreg $0xFFFFFFFF  }
0xa8: {  	s28 =	simm.s32 $_size_execute0_lowered;
	s4 =	sadd.s32 s4, s6;
	[dreg:$0x0] =	wrdreg $0x0  }
0xa9: {  	s6 =	sshll.u32 s28, $0x1;
	[dreg:$0x2] =	wrdreg s4  }
0xaa: {  	[dreg:$0x3] =	wrdreg s6  }
0xab: {  	[dreg:$0x4] =	wrdreg $0xC0  }
0xac: {  	_ =	task [dreg:s8], $0x5FFFF  }
0xad: {  	[dreg:$0x1] =	wrdreg $0xFFFFFFFF  }
0xae: {  	[dreg:$0x0] =	wrdreg $0x60  }
0xaf: {  	[dreg:$0x2] =	wrdreg s2  }
0xb0: {  	[dreg:$0x3] =	wrdreg s18  }
0xb1: {  	[dreg:$0x4] =	wrdreg s24  }
0xb2: {  	[dreg:$0x5] =	wrdreg $0xAC000  }
0xb3: {  	[dreg:$0x6] =	wrdreg $0x9  }
0xb4: {  	_ =	task.clear_ibuf [dreg:s8], $0x7FFFF;
	_ =	strace $0x90000046  }
0xb5: {  	s29 =	simm.s32 $0x9;
	_ =	strace $0x80000048  }
0xb6: {  	_ =	swait.ge [sflag:s29], $0x1  }
0xb7: {  	[sflag:s29] =	ssyncadd.s32 $0xFFFFFFFF  }
0xb8: {  	_ =	strace $0x90000048  }
0xb9: {  	_ =	sfence  }
0xba: {  	s30 =	sld [smem:$0x0];
	_ =	sdelay $0x2  }
0xbb: {  	s31 =	sshll.u32 s1, $0xD;
	s1 =	sshrl.u32 s1, $0x2  }
0xbc: {  	s3 =	sand.u32 $0x4000, s31;
	s1 =	sadd.s32 s1, s30  }
0xbd: {  	s0 =	sor.u32 s3, s0;
	s1 =	sshll.u32 s1, $0x11  }
0xbe: {  	s0 =	sor.u32 s1, s0  }
0xbf: {  	s0 =	sadd.s32 $0x8F2B, s0  }
0xc0: {  	[sflag:s0] =	ssyncadd.remote.s32 $0x1  }
0xc1: {  	_ =	sfence.sel $0xFFFF  }
0xc2: {  	[dreg:$0x0] =	wrdreg $0xFFFFFFFF;
	(pc) =	sbr.abs _section_cstart, $3  }
0xc3: {  	[dreg:$0x1] =	wrdreg $0xFFFFFFFF  }
0xc4: {  	_ =	task.clear_ibuf [dreg:s8], $0x2FFFF;
	_ =	strace $0x9FFFFFFF  }
0xc5: {  	(tm) =	ssettm $0x7FFFFFFF  }
tec
execute0_lowered:
.L_overlay_start_1:
0x0: {  	(tag) =	ssettag $0x1  }
0x1: {  	s0 =	rddreg [dreg:$0x0]  }
0x2: {  	s1 =	rddreg [dreg:$0x1];
	s10 =	stileid.u32  }
0x3: {  	s4 =	srdreg.scid;
	s8 =	smul.u32 $0x14000, s10  }
0x4: {  	s2 =	rddreg [dreg:$0x2];
	s6 =	sand.u32 $0x1, s4;
	s17 =	smul.u32 $0x50000, s10  }
0x5: {  	s3 =	rddreg [dreg:$0x3];
	s7 =	sshll.u32 s10, $0x1;
	s5 =	smul.u32 $0x140000, s6  }
0x6: {  	s4 =	simm.s32 $0x0;
	s22 =	smul.u32 $0x4E20, s10;
	s7 =	sor.u32 s6, s7  }
0x7: {  	[smem:$0x7FF] =	sst s4;
	s5 =	sadd.s32 s8, s5;
	s8 =	sshrl.u32 s17, $0x2  }
0x8: {  	s15 =	ssub.s32 $0x2, s6;
	s6 =	smul.u32 $0x2710, s6;
	s12 =	sadd.s32 s8, s3  }
0x9: {  	s7 =	smul.u32 $0x2710, s7;
	_ =	strace $0x80000047;
	s25 =	sadd.s32 $0x800, s12  }
0xa: {  	s9 =	sshrl.u32 s15, $0x1;
	s26 =	sadd.s32 $0x1000, s12;
	[dreg:$0xd] =	wrdreg s25  }
0xb: {  	s6 =	sadd.s32 s6, s22;
	s29 =	sadd.s32 $0x1800, s12;
	[dreg:$0xe] =	wrdreg s26  }
0xc: {  	s5 =	sshrl.u32 s5, $0x3;
	s31 =	sadd.s32 $0x2000, s12;
	[dreg:$0xf] =	wrdreg s29  }
0xd: {  	s7 =	sshrl.u32 s7, $0x3;
	s10 =	sadd.s32 $0x2800, s12;
	[dreg:$0x10] =	wrdreg s31  }
0xe: {  	s2 =	sadd.s32 s5, s2;
	s13 =	sadd.s32 $0x3000, s12;
	[dreg:$0x11] =	wrdreg s10  }
0xf: {  	s5 =	sadd.s32 s1, s7;
	s14 =	sadd.s32 $0x3800, s12;
	[dreg:$0x12] =	wrdreg s13  }
0x10: {  	s7 =	ssub.s32 s15, s9;
	s15 =	sadd.s32 $0x4000, s12;
	[dreg:$0x13] =	wrdreg s14  }
0x11: {  	s11 =	sadd.s32 $0x190, s6;
	s9 =	sadd.s32 $0xB800, s12;
	[dreg:$0x14] =	wrdreg s15  }
0x12: {  	s8 =	sshrl.u32 s11, $0x3;
	s11 =	sadd.s32 $0xC800, s12;
	[smem:$0x7EC] =	sst s9  }
0x13: {  	[smem:$0x7EE] =	sst s11  }
0x14: {  	s16 =	sadd.s32 $0x9C40, s5;
	[dreg:$0x5] =	wrdreg s5  }
0x15: {  	s18 =	sadd.s32 $0xA, s5;
	[dreg:$0x6] =	wrdreg s16  }
0x16: {  	s19 =	sadd.s32 $0x9C4A, s5;
	[dreg:$0x7] =	wrdreg s18  }
0x17: {  	s20 =	sadd.s32 $0x14, s5;
	[dreg:$0x8] =	wrdreg s19  }
0x18: {  	s21 =	sadd.s32 $0x9C54, s5;
	[dreg:$0x9] =	wrdreg s20  }
0x19: {  	s23 =	sadd.s32 $0x1E, s5;
	[dreg:$0xa] =	wrdreg s21  }
0x1a: {  	s24 =	sadd.s32 $0x9C5E, s5;
	[dreg:$0xb] =	wrdreg s23  }
0x1b: {  	s17 =	smax.u32 s7, $0x1;
	[dreg:$0xc] =	wrdreg s24  }
0x1c: {  	s25 =	sadd.s32 $0x7800, s12;
	[dreg:$0x16] =	wrdreg s17  }
0x1d: {  	s26 =	sadd.s32 $0x8000, s12;
	[dreg:$0x1d] =	wrdreg s25  }
0x1e: {  	s6 =	sadd.s32 $0x4E340, s6;
	s29 =	sadd.s32 $0x8800, s12;
	[dreg:$0x1e] =	wrdreg s26  }
0x1f: {  	s6 =	sshrl.u32 s6, $0x3;
	s31 =	sadd.s32 $0x9000, s12;
	[dreg:$0x1f] =	wrdreg s29  }
0x20: {  	s22 =	sadd.s32 s6, s1;
	s6 =	sadd.s32 $0xA000, s12;
	[smem:$0x7E7] =	sst s31  }
0x21: {  	s7 =	sadd.s32 $0xA800, s12;
	[smem:$0x7E9] =	sst s6  }
0x22: {  	s30 =	sadd.s32 s8, s1;
	s8 =	sadd.s32 $0xB000, s12;
	[smem:$0x7EA] =	sst s7  }
0x23: {  	s10 =	sadd.s32 $0xC000, s12;
	[smem:$0x7EB] =	sst s8  }
0x24: {  	s13 =	sadd.s32 $0xD000, s12;
	[smem:$0x7ED] =	sst s10  }
0x25: {  	s14 =	sadd.s32 $0xD800, s12;
	[smem:$0x7EF] =	sst s13  }
0x26: {  	s15 =	sadd.s32 $0xE000, s12;
	[smem:$0x7F0] =	sst s14  }
0x27: {  	s16 =	sadd.s32 $0x3000, s2;
	[smem:$0x7F1] =	sst s15  }
0x28: {  	s18 =	sadd.s32 $0x4800, s12;
	[dreg:$0x15] =	wrdreg s16  }
0x29: {  	s19 =	sadd.s32 $0x5000, s12;
	[dreg:$0x17] =	wrdreg s18  }
0x2a: {  	s20 =	sadd.s32 $0x5800, s12;
	[dreg:$0x18] =	wrdreg s19  }
0x2b: {  	s21 =	sadd.s32 $0x6000, s12;
	[dreg:$0x19] =	wrdreg s20  }
0x2c: {  	s23 =	sadd.s32 $0x6800, s12;
	[dreg:$0x1a] =	wrdreg s21  }
0x2d: {  	s24 =	sadd.s32 $0x7000, s12;
	[dreg:$0x1b] =	wrdreg s23  }
0x2e: {  	s2 =	sadd.s32 $0x9800, s12;
	[dreg:$0x1c] =	wrdreg s24  }
0x2f: {  	s17 =	sadd.s32 $0xF000, s12;
	[smem:$0x7E8] =	sst s2  }
0x30: {  	s25 =	sadd.s32 $0x12800, s12;
	[smem:$0x7F3] =	sst s17  }
0x31: {  	s26 =	sadd.s32 $0x13000, s12;
	[smem:$0x7FA] =	sst s25  }
0x32: {  	s28 =	simm.s32 $0x0;
	s29 =	sadd.s32 $0x13800, s12;
	[smem:$0x7FB] =	sst s26  }
0x33: {  	s9 =	simm.s32 $0x180;
	s31 =	sadd.s32 $0x28, s5;
	[smem:$0x7FC] =	sst s29  }
0x34: {  	s11 =	simm.s32 $0xA400;
	s16 =	sadd.s32 $0xE800, s12;
	[smem:$0x7FD] =	sst s31  }
0x35: {  	s5 =	simm.s32 $0x200;
	s18 =	sadd.s32 $0xF800, s12;
	[smem:$0x7F2] =	sst s16  }
0x36: {  	s6 =	simm.s32 $0x80;
	s19 =	sadd.s32 $0x10000, s12;
	[smem:$0x7F4] =	sst s18  }
0x37: {  	s8 =	simm.s32 $0x100;
	s20 =	sadd.s32 $0x10800, s12;
	[smem:$0x7F5] =	sst s19  }
0x38: {  	s13 =	simm.s32 $0x11;
	s21 =	sadd.s32 $0x11000, s12;
	[smem:$0x7F6] =	sst s20  }
0x39: {  	s15 =	simm.s32 $0x50;
	s23 =	sadd.s32 $0x11800, s12;
	[smem:$0x7F7] =	sst s21  }
0x3a: {  	s7 =	simm.s32 $0x5;
	s24 =	sadd.s32 $0x12000, s12;
	[smem:$0x7F8] =	sst s23  }
0x3b: {  	s25 =	simm.s32 $0x7;
	s26 =	simm.s32 $0x8;
	[smem:$0x7F9] =	sst s24  }
0x3c: {  	v0 =	vimm.f32 $0.0e+00;
	s20 =	simm.s32 $0x1;
	s23 =	simm.s32 $0xD;
	s24 =	simm.s32 $0x6  }
.LBB2_1:
0x3d: {  	s1 =	rddreg [dreg:$0x5]  }
0x3e: {  	s10 =	rddreg [dreg:$0x6]  }
0x3f: {  	[tilespmem:s4], [sflag:$0x9] =	stream.linear.gather [hbm4b:s1+s4], $0x50, $0x38;
	[tilespmem:$0x1EC00] =	vst v63  }
0x40: {  	s14 =	rddreg [dreg:$0x7]  }
0x41: {  	[tilespmem:s5], [sflag:$0xD] =	stream.linear.gather [hbm4b:s10+s4], $0x50, $0x38;
	[tilespmem:$0x1EC00] =	vst v63  }
0x42: {  	s16 =	rddreg [dreg:$0x8]  }
0x43: {  	[tilespmem:s6], [sflag:$0xA] =	stream.linear.gather [hbm4b:s14+s4], $0x50, $0x38;
	[tilespmem:$0x1EC00] =	vst v63  }
0x44: {  	s2 =	simm.s32 $0x280;
	s17 =	rddreg [dreg:$0x9]  }
0x45: {  	[tilespmem:s2], [sflag:$0xE] =	stream.linear.gather [hbm4b:s16+s4], $0x50, $0x38;
	[tilespmem:$0x1EC00] =	vst v63  }
0x46: {  	s18 =	rddreg [dreg:$0xa]  }
0x47: {  	[tilespmem:s8], [sflag:$0xB] =	stream.linear.gather [hbm4b:s17+s4], $0x50, $0x38;
	[tilespmem:$0x1EC00] =	vst v63  }
0x48: {  	s19 =	simm.s32 $0x300;
	s21 =	rddreg [dreg:$0xb]  }
0x49: {  	[tilespmem:s19], [sflag:$0xF] =	stream.linear.gather [hbm4b:s18+s4], $0x50, $0x38;
	[tilespmem:$0x1EC00] =	vst v63  }
0x4a: {  	s29 =	rddreg [dreg:$0xc]  }
0x4b: {  	[tilespmem:s9], [sflag:$0xC] =	stream.linear.gather [hbm4b:s21+s4], $0x50, $0x38;
	[tilespmem:$0x1EC00] =	vst v63  }
0x4c: {  	s31 =	simm.s32 $0x380;
	s1 =	simm.s32 $0x0;
	s2 =	simm.s32 $0x200  }
0x4d: {  	[tilespmem:s31], [sflag:$0x10] =	stream.linear.gather [hbm4b:s29+s4], $0x50, $0x38;
	[tilespmem:$0x1EC00] =	vst v63  }
.LBB2_2:
0x4e: {  	p0 =	sne.s32 s2, $0x1E00;
	[tilespmem:s1+$0xA470] =	vst v0  }
0x4f: {  	[tilespmem:s1+$0xA400] =	vst v0  }
0x50: {  	[tilespmem:s1+$0xA410] =	vst v0  }
.Ltmp0:
0x51: {  	[tilespmem:s1+$0xA420] =	vst v0;
	(pc) =	sbr.rel @p0 .LBB2_2-.Ltmp0, $4  }
0x52: {  	[tilespmem:s1+$0xA430] =	vst v0  }
0x53: {  	[tilespmem:s1+$0xA440] =	vst v0  }
0x54: {  	[tilespmem:s1+$0xA450] =	vst v0  }
0x55: {  	[tilespmem:s1+$0xA460] =	vst v0;
	s1 =	sshra.s32 s2, $0x2;
	s2 =	sadd.s32 $0x200, s2  }
0x56: {  	[tilespmem:s1+$0xA470] =	vst v0  }
0x57: {  	[tilespmem:s1+$0xA400] =	vst v0  }
0x58: {  	[tilespmem:s1+$0xA410] =	vst v0  }
0x59: {  	[tilespmem:s1+$0xA420] =	vst v0  }
0x5a: {  	[tilespmem:s1+$0xA430] =	vst v0  }
0x5b: {  	[tilespmem:s1+$0xA440] =	vst v0  }
0x5c: {  	[tilespmem:s1+$0xA450] =	vst v0  }
0x5d: {  	[tilespmem:s1+$0xA460] =	vst v0  }
0x5e: {  	[spmem:s12] =	stream.linear.scatter [tilespmem:s11], [sflag:$0x11], $0x800, $0x38;
	[tilespmem:$0x1EC00] =	vst v63  }
0x5f: {  	_ =	swait.ge [sflag:s13], $0x800  }
0x60: {  	[sflag:s13] =	ssyncset.done $0x0  }
0x61: {  	s14 =	rddreg [dreg:$0xd];
	[sflag:s13] =	ssyncadd.s32 $0xFFFFF800  }
0x62: {  	[spmem:s14] =	stream.linear.scatter [tilespmem:s11], [sflag:$0x11], $0x800, $0x38;
	[tilespmem:$0x1EC00] =	vst v63  }
0x63: {  	_ =	swait.ge [sflag:s13], $0x800  }
0x64: {  	[sflag:s13] =	ssyncset.done $0x0  }
0x65: {  	s16 =	rddreg [dreg:$0xe];
	[sflag:s13] =	ssyncadd.s32 $0xFFFFF800  }
0x66: {  	[spmem:s16] =	stream.linear.scatter [tilespmem:s11], [sflag:$0x11], $0x800, $0x38;
	[tilespmem:$0x1EC00] =	vst v63  }
0x67: {  	_ =	swait.ge [sflag:s13], $0x800  }
0x68: {  	[sflag:s13] =	ssyncset.done $0x0  }
0x69: {  	s17 =	rddreg [dreg:$0xf];
	[sflag:s13] =	ssyncadd.s32 $0xFFFFF800  }
0x6a: {  	[spmem:s17] =	stream.linear.scatter [tilespmem:s11], [sflag:$0x11], $0x800, $0x38;
	[tilespmem:$0x1EC00] =	vst v63  }
0x6b: {  	_ =	swait.ge [sflag:s13], $0x800  }
0x6c: {  	[sflag:s13] =	ssyncset.done $0x0  }
0x6d: {  	s18 =	rddreg [dreg:$0x10];
	[sflag:s13] =	ssyncadd.s32 $0xFFFFF800  }
0x6e: {  	[spmem:s18] =	stream.linear.scatter [tilespmem:s11], [sflag:$0x11], $0x800, $0x38;
	[tilespmem:$0x1EC00] =	vst v63  }
0x6f: {  	_ =	swait.ge [sflag:s13], $0x800  }
0x70: {  	[sflag:s13] =	ssyncset.done $0x0  }
0x71: {  	s19 =	rddreg [dreg:$0x11];
	[sflag:s13] =	ssyncadd.s32 $0xFFFFF800  }
0x72: {  	[spmem:s19] =	stream.linear.scatter [tilespmem:s11], [sflag:$0x11], $0x800, $0x38;
	[tilespmem:$0x1EC00] =	vst v63  }
0x73: {  	_ =	swait.ge [sflag:s13], $0x800  }
0x74: {  	[sflag:s13] =	ssyncset.done $0x0  }
0x75: {  	s21 =	rddreg [dreg:$0x12];
	[sflag:s13] =	ssyncadd.s32 $0xFFFFF800  }
0x76: {  	[spmem:s21] =	stream.linear.scatter [tilespmem:s11], [sflag:$0x11], $0x800, $0x38;
	[tilespmem:$0x1EC00] =	vst v63  }
0x77: {  	_ =	swait.ge [sflag:s13], $0x800  }
0x78: {  	[sflag:s13] =	ssyncset.done $0x0  }
0x79: {  	s2 =	rddreg [dreg:$0x13];
	[sflag:s13] =	ssyncadd.s32 $0xFFFFF800  }
0x7a: {  	[spmem:s2] =	stream.linear.scatter [tilespmem:s11], [sflag:$0x11], $0x800, $0x38;
	[tilespmem:$0x1EC00] =	vst v63  }
0x7b: {  	_ =	swait.ge [sflag:s13], $0x800  }
0x7c: {  	[sflag:s13] =	ssyncset.done $0x0  }
0x7d: {  	s10 =	rddreg [dreg:$0x14];
	[sflag:s13] =	ssyncadd.s32 $0xFFFFF800  }
0x7e: {  	[spmem:s10] =	stream.linear.scatter [tilespmem:s11], [sflag:$0x11], $0x800, $0x38;
	[tilespmem:$0x1EC00] =	vst v63  }
0x7f: {  	_ =	swait.ge [sflag:s13], $0x800  }
0x80: {  	[sflag:s13] =	ssyncset.done $0x0  }
0x81: {  	s14 =	rddreg [dreg:$0x17];
	[sflag:s13] =	ssyncadd.s32 $0xFFFFF800  }
0x82: {  	[spmem:s14] =	stream.linear.scatter [tilespmem:s11], [sflag:$0x11], $0x800, $0x38;
	[tilespmem:$0x1EC00] =	vst v63  }
0x83: {  	_ =	swait.ge [sflag:s13], $0x800  }
0x84: {  	[sflag:s13] =	ssyncset.done $0x0  }
0x85: {  	s16 =	rddreg [dreg:$0x18];
	[sflag:s13] =	ssyncadd.s32 $0xFFFFF800  }
0x86: {  	[spmem:s16] =	stream.linear.scatter [tilespmem:s11], [sflag:$0x11], $0x800, $0x38;
	[tilespmem:$0x1EC00] =	vst v63  }
0x87: {  	_ =	swait.ge [sflag:s13], $0x800  }
0x88: {  	[sflag:s13] =	ssyncset.done $0x0  }
0x89: {  	s17 =	rddreg [dreg:$0x19];
	[sflag:s13] =	ssyncadd.s32 $0xFFFFF800  }
0x8a: {  	[spmem:s17] =	stream.linear.scatter [tilespmem:s11], [sflag:$0x11], $0x800, $0x38;
	[tilespmem:$0x1EC00] =	vst v63  }
0x8b: {  	_ =	swait.ge [sflag:s13], $0x800  }
0x8c: {  	[sflag:s13] =	ssyncset.done $0x0  }
0x8d: {  	s18 =	rddreg [dreg:$0x1a];
	[sflag:s13] =	ssyncadd.s32 $0xFFFFF800  }
0x8e: {  	[spmem:s18] =	stream.linear.scatter [tilespmem:s11], [sflag:$0x11], $0x800, $0x38;
	[tilespmem:$0x1EC00] =	vst v63  }
0x8f: {  	_ =	swait.ge [sflag:s13], $0x800  }
0x90: {  	[sflag:s13] =	ssyncset.done $0x0  }
0x91: {  	s19 =	rddreg [dreg:$0x1b];
	[sflag:s13] =	ssyncadd.s32 $0xFFFFF800  }
0x92: {  	[spmem:s19] =	stream.linear.scatter [tilespmem:s11], [sflag:$0x11], $0x800, $0x38;
	[tilespmem:$0x1EC00] =	vst v63  }
0x93: {  	_ =	swait.ge [sflag:s13], $0x800  }
0x94: {  	[sflag:s13] =	ssyncset.done $0x0  }
0x95: {  	s21 =	rddreg [dreg:$0x1c];
	[sflag:s13] =	ssyncadd.s32 $0xFFFFF800  }
0x96: {  	[spmem:s21] =	stream.linear.scatter [tilespmem:s11], [sflag:$0x11], $0x800, $0x38;
	[tilespmem:$0x1EC00] =	vst v63  }
0x97: {  	_ =	swait.ge [sflag:s13], $0x800  }
0x98: {  	[sflag:s13] =	ssyncset.done $0x0  }
0x99: {  	s2 =	rddreg [dreg:$0x1d];
	[sflag:s13] =	ssyncadd.s32 $0xFFFFF800  }
0x9a: {  	[spmem:s2] =	stream.linear.scatter [tilespmem:s11], [sflag:$0x11], $0x800, $0x38;
	[tilespmem:$0x1EC00] =	vst v63  }
0x9b: {  	_ =	swait.ge [sflag:s13], $0x800  }
0x9c: {  	[sflag:s13] =	ssyncset.done $0x0  }
0x9d: {  	s10 =	rddreg [dreg:$0x1e];
	[sflag:s13] =	ssyncadd.s32 $0xFFFFF800  }
0x9e: {  	[spmem:s10] =	stream.linear.scatter [tilespmem:s11], [sflag:$0x11], $0x800, $0x38;
	[tilespmem:$0x1EC00] =	vst v63  }
0x9f: {  	_ =	swait.ge [sflag:s13], $0x800  }
0xa0: {  	[sflag:s13] =	ssyncset.done $0x0  }
0xa1: {  	s14 =	rddreg [dreg:$0x1f];
	[sflag:s13] =	ssyncadd.s32 $0xFFFFF800  }
0xa2: {  	[spmem:s14] =	stream.linear.scatter [tilespmem:s11], [sflag:$0x11], $0x800, $0x38;
	[tilespmem:$0x1EC00] =	vst v63  }
0xa3: {  	_ =	swait.ge [sflag:s13], $0x800  }
0xa4: {  	s16 =	sld [smem:$0x7E7]  }
0xa5: {  	[sflag:s13] =	ssyncset.done $0x0  }
0xa6: {  	[sflag:s13] =	ssyncadd.s32 $0xFFFFF800  }
0xa7: {  	[spmem:s16] =	stream.linear.scatter [tilespmem:s11], [sflag:$0x11], $0x800, $0x38;
	[tilespmem:$0x1EC00] =	vst v63  }
0xa8: {  	_ =	swait.ge [sflag:s13], $0x800  }
0xa9: {  	s17 =	sld [smem:$0x7E8]  }
0xaa: {  	[sflag:s13] =	ssyncset.done $0x0  }
0xab: {  	[sflag:s13] =	ssyncadd.s32 $0xFFFFF800  }
0xac: {  	[spmem:s17] =	stream.linear.scatter [tilespmem:s11], [sflag:$0x11], $0x800, $0x38;
	[tilespmem:$0x1EC00] =	vst v63  }
0xad: {  	_ =	swait.ge [sflag:s13], $0x800  }
0xae: {  	s18 =	sld [smem:$0x7E9]  }
0xaf: {  	[sflag:s13] =	ssyncset.done $0x0  }
0xb0: {  	[sflag:s13] =	ssyncadd.s32 $0xFFFFF800  }
0xb1: {  	[spmem:s18] =	stream.linear.scatter [tilespmem:s11], [sflag:$0x11], $0x800, $0x38;
	[tilespmem:$0x1EC00] =	vst v63  }
0xb2: {  	_ =	swait.ge [sflag:s13], $0x800  }
0xb3: {  	s19 =	sld [smem:$0x7EA]  }
0xb4: {  	[sflag:s13] =	ssyncset.done $0x0  }
0xb5: {  	[sflag:s13] =	ssyncadd.s32 $0xFFFFF800  }
0xb6: {  	[spmem:s19] =	stream.linear.scatter [tilespmem:s11], [sflag:$0x11], $0x800, $0x38;
	[tilespmem:$0x1EC00] =	vst v63  }
0xb7: {  	_ =	swait.ge [sflag:s13], $0x800  }
0xb8: {  	s21 =	sld [smem:$0x7EB]  }
0xb9: {  	[sflag:s13] =	ssyncset.done $0x0  }
0xba: {  	[sflag:s13] =	ssyncadd.s32 $0xFFFFF800  }
0xbb: {  	[spmem:s21] =	stream.linear.scatter [tilespmem:s11], [sflag:$0x11], $0x800, $0x38;
	[tilespmem:$0x1EC00] =	vst v63  }
0xbc: {  	_ =	swait.ge [sflag:s13], $0x800  }
0xbd: {  	s2 =	sld [smem:$0x7EC]  }
0xbe: {  	[sflag:s13] =	ssyncset.done $0x0  }
0xbf: {  	[sflag:s13] =	ssyncadd.s32 $0xFFFFF800  }
0xc0: {  	[spmem:s2] =	stream.linear.scatter [tilespmem:s11], [sflag:$0x11], $0x800, $0x38;
	[tilespmem:$0x1EC00] =	vst v63  }
0xc1: {  	_ =	swait.ge [sflag:s13], $0x800  }
0xc2: {  	s10 =	sld [smem:$0x7ED]  }
0xc3: {  	[sflag:s13] =	ssyncset.done $0x0  }
0xc4: {  	[sflag:s13] =	ssyncadd.s32 $0xFFFFF800  }
0xc5: {  	[spmem:s10] =	stream.linear.scatter [tilespmem:s11], [sflag:$0x11], $0x800, $0x38;
	[tilespmem:$0x1EC00] =	vst v63  }
0xc6: {  	_ =	swait.ge [sflag:s13], $0x800  }
0xc7: {  	s14 =	sld [smem:$0x7EE]  }
0xc8: {  	[sflag:s13] =	ssyncset.done $0x0  }
0xc9: {  	[sflag:s13] =	ssyncadd.s32 $0xFFFFF800  }
0xca: {  	[spmem:s14] =	stream.linear.scatter [tilespmem:s11], [sflag:$0x11], $0x800, $0x38;
	[tilespmem:$0x1EC00] =	vst v63  }
0xcb: {  	_ =	swait.ge [sflag:s13], $0x800  }
0xcc: {  	s16 =	sld [smem:$0x7EF]  }
0xcd: {  	[sflag:s13] =	ssyncset.done $0x0  }
0xce: {  	[sflag:s13] =	ssyncadd.s32 $0xFFFFF800  }
0xcf: {  	[spmem:s16] =	stream.linear.scatter [tilespmem:s11], [sflag:$0x11], $0x800, $0x38;
	[tilespmem:$0x1EC00] =	vst v63  }
0xd0: {  	_ =	swait.ge [sflag:s13], $0x800  }
0xd1: {  	s17 =	sld [smem:$0x7F0]  }
0xd2: {  	[sflag:s13] =	ssyncset.done $0x0  }
0xd3: {  	[sflag:s13] =	ssyncadd.s32 $0xFFFFF800  }
0xd4: {  	[spmem:s17] =	stream.linear.scatter [tilespmem:s11], [sflag:$0x11], $0x800, $0x38;
	[tilespmem:$0x1EC00] =	vst v63  }
0xd5: {  	_ =	swait.ge [sflag:s13], $0x800  }
0xd6: {  	s18 =	sld [smem:$0x7F1]  }
0xd7: {  	[sflag:s13] =	ssyncset.done $0x0  }
0xd8: {  	[sflag:s13] =	ssyncadd.s32 $0xFFFFF800  }
0xd9: {  	[spmem:s18] =	stream.linear.scatter [tilespmem:s11], [sflag:$0x11], $0x800, $0x38;
	[tilespmem:$0x1EC00] =	vst v63  }
0xda: {  	_ =	swait.ge [sflag:s13], $0x800  }
0xdb: {  	s19 =	sld [smem:$0x7F2]  }
0xdc: {  	[sflag:s13] =	ssyncset.done $0x0  }
0xdd: {  	[sflag:s13] =	ssyncadd.s32 $0xFFFFF800  }
0xde: {  	[spmem:s19] =	stream.linear.scatter [tilespmem:s11], [sflag:$0x11], $0x800, $0x38;
	[tilespmem:$0x1EC00] =	vst v63  }
0xdf: {  	_ =	swait.ge [sflag:s13], $0x800  }
0xe0: {  	s21 =	sld [smem:$0x7F3]  }
0xe1: {  	[sflag:s13] =	ssyncset.done $0x0  }
0xe2: {  	[sflag:s13] =	ssyncadd.s32 $0xFFFFF800  }
0xe3: {  	[spmem:s21] =	stream.linear.scatter [tilespmem:s11], [sflag:$0x11], $0x800, $0x38;
	[tilespmem:$0x1EC00] =	vst v63  }
0xe4: {  	_ =	swait.ge [sflag:s13], $0x800  }
0xe5: {  	s2 =	sld [smem:$0x7F4]  }
0xe6: {  	[sflag:s13] =	ssyncset.done $0x0  }
0xe7: {  	[sflag:s13] =	ssyncadd.s32 $0xFFFFF800  }
0xe8: {  	[spmem:s2] =	stream.linear.scatter [tilespmem:s11], [sflag:$0x11], $0x800, $0x38;
	[tilespmem:$0x1EC00] =	vst v63  }
0xe9: {  	_ =	swait.ge [sflag:s13], $0x800  }
0xea: {  	s10 =	sld [smem:$0x7F5]  }
0xeb: {  	[sflag:s13] =	ssyncset.done $0x0  }
0xec: {  	[sflag:s13] =	ssyncadd.s32 $0xFFFFF800  }
0xed: {  	[spmem:s10] =	stream.linear.scatter [tilespmem:s11], [sflag:$0x11], $0x800, $0x38;
	[tilespmem:$0x1EC00] =	vst v63  }
0xee: {  	_ =	swait.ge [sflag:s13], $0x800  }
0xef: {  	s14 =	sld [smem:$0x7F6]  }
0xf0: {  	[sflag:s13] =	ssyncset.done $0x0  }
0xf1: {  	[sflag:s13] =	ssyncadd.s32 $0xFFFFF800  }
0xf2: {  	[spmem:s14] =	stream.linear.scatter [tilespmem:s11], [sflag:$0x11], $0x800, $0x38;
	[tilespmem:$0x1EC00] =	vst v63  }
0xf3: {  	_ =	swait.ge [sflag:s13], $0x800  }
0xf4: {  	s16 =	sld [smem:$0x7F7]  }
0xf5: {  	[sflag:s13] =	ssyncset.done $0x0  }
0xf6: {  	[sflag:s13] =	ssyncadd.s32 $0xFFFFF800  }
0xf7: {  	[spmem:s16] =	stream.linear.scatter [tilespmem:s11], [sflag:$0x11], $0x800, $0x38;
	[tilespmem:$0x1EC00] =	vst v63  }
0xf8: {  	_ =	swait.ge [sflag:s13], $0x800  }
0xf9: {  	s17 =	sld [smem:$0x7F8]  }
0xfa: {  	[sflag:s13] =	ssyncset.done $0x0  }
0xfb: {  	[sflag:s13] =	ssyncadd.s32 $0xFFFFF800  }
0xfc: {  	[spmem:s17] =	stream.linear.scatter [tilespmem:s11], [sflag:$0x11], $0x800, $0x38;
	[tilespmem:$0x1EC00] =	vst v63  }
0xfd: {  	_ =	swait.ge [sflag:s13], $0x800  }
0xfe: {  	s18 =	sld [smem:$0x7F9]  }
0xff: {  	[sflag:s13] =	ssyncset.done $0x0  }
0x100: {  	[sflag:s13] =	ssyncadd.s32 $0xFFFFF800  }
0x101: {  	[spmem:s18] =	stream.linear.scatter [tilespmem:s11], [sflag:$0x11], $0x800, $0x38;
	[tilespmem:$0x1EC00] =	vst v63  }
0x102: {  	_ =	swait.ge [sflag:s13], $0x800  }
0x103: {  	s19 =	sld [smem:$0x7FA]  }
0x104: {  	[sflag:s13] =	ssyncset.done $0x0  }
0x105: {  	[sflag:s13] =	ssyncadd.s32 $0xFFFFF800  }
0x106: {  	[spmem:s19] =	stream.linear.scatter [tilespmem:s11], [sflag:$0x11], $0x800, $0x38;
	[tilespmem:$0x1EC00] =	vst v63  }
0x107: {  	_ =	swait.ge [sflag:s13], $0x800  }
0x108: {  	s21 =	sld [smem:$0x7FB]  }
0x109: {  	[sflag:s13] =	ssyncset.done $0x0  }
0x10a: {  	[sflag:s13] =	ssyncadd.s32 $0xFFFFF800  }
0x10b: {  	[spmem:s21] =	stream.linear.scatter [tilespmem:s11], [sflag:$0x11], $0x800, $0x38;
	[tilespmem:$0x1EC00] =	vst v63  }
0x10c: {  	_ =	swait.ge [sflag:s13], $0x800  }
0x10d: {  	s2 =	sld [smem:$0x7FC]  }
0x10e: {  	[sflag:s13] =	ssyncset.done $0x0  }
0x10f: {  	[sflag:s13] =	ssyncadd.s32 $0xFFFFF800  }
0x110: {  	[spmem:s2] =	stream.linear.scatter [tilespmem:s11], [sflag:$0x11], $0x800, $0x38;
	[tilespmem:$0x1EC00] =	vst v63  }
0x111: {  	_ =	swait.ge [sflag:s13], $0x800  }
0x112: {  	[sflag:s13] =	ssyncset.done $0x0  }
0x113: {  	[sflag:s13] =	ssyncadd.s32 $0xFFFFF800  }
0x114: {  	s10 =	simm.s32 $0x9;
	[bflag:$0x0] =	sbarrier.arrive $0xFFFF  }
0x115: {  	_ =	swait.ge [sflag:s10], $0x50  }
0x116: {  	[sflag:s10] =	ssyncset.done $0x0  }
0x117: {  	s14 =	simm.s32 $0x400;
	s2 =	simm.s32 $0xA;
	[sflag:s10] =	ssyncadd.s32 $0xFFFFFFB0  }
0x118: {  	[tilespmem:s14], [sflag:$0x1] =	stream.indirect.gather [hbm4b:s0+s15], $0x80, s4, s15, $0xb8;
	[tilespmem:$0x1EC00] =	vst v63  }
0x119: {  	_ =	swait.ge [sflag:s2], $0x50  }
0x11a: {  	[sflag:s2] =	ssyncset.done $0x0  }
0x11b: {  	s16 =	simm.s32 $0x2C00;
	s17 =	simm.s32 $0xB;
	[sflag:s2] =	ssyncadd.s32 $0xFFFFFFB0  }
0x11c: {  	[tilespmem:s16], [sflag:$0x2] =	stream.indirect.gather [hbm4b:s0+s15], $0x80, s6, s15, $0xb8;
	[tilespmem:$0x1EC00] =	vst v63  }
0x11d: {  	_ =	swait.ge [sflag:s17], $0x50  }
0x11e: {  	[sflag:s17] =	ssyncset.done $0x0  }
0x11f: {  	s18 =	simm.s32 $0x5400;
	s19 =	simm.s32 $0xC;
	[sflag:s17] =	ssyncadd.s32 $0xFFFFFFB0  }
0x120: {  	[tilespmem:s18], [sflag:$0x3] =	stream.indirect.gather [hbm4b:s0+s15], $0x80, s8, s15, $0xb8;
	[tilespmem:$0x1EC00] =	vst v63  }
0x121: {  	_ =	swait.ge [sflag:s19], $0x50  }
0x122: {  	[sflag:s19] =	ssyncset.done $0x0  }
0x123: {  	s21 =	simm.s32 $0x7C00;
	[sflag:s19] =	ssyncadd.s32 $0xFFFFFFB0  }
0x124: {  	[tilespmem:s21], [sflag:$0x4] =	stream.indirect.gather [hbm4b:s0+s15], $0x80, s9, s15, $0xb8;
	[tilespmem:$0x1EC00] =	vst v63  }
0x125: {  	_ =	swait.ge [sflag:s20], $0x2800  }
0x126: {  	[sflag:s20] =	ssyncset.done $0x0  }
0x127: {  	[sflag:s20] =	ssyncadd.s32 $0xFFFFD800  }
0x128: {  	_ =	swait.ge [sflag:s23], $0x50  }
0x129: {  	s1 =	simm.s32 $0x4;
	p0 =	por $0x0, $0x0;
	[sflag:s23] =	ssyncset.done $0x0  }
0x12a: {  	s1 =	sand.u32 @!p0 $0x3, s1;
	s2 =	sld [smem:$0x7FD];
	[sflag:s23] =	ssyncadd.s32 $0xFFFFFFB0  }
0x12b: {  	[spmem:s3] =	stream.indirect.scatter.add.f32 [tilespmem:s14], [sflag:$0x5], $0x80, s5, s15, $0xb8;
	[tilespmem:$0x1EC00] =	vst v63  }
0x12c: {  	s29 =	sadd.s32 @!p0 $0x9, s1;
	s6 =	sadd.s32 @!p0 $0x5, s1;
	s8 =	sshll.u32 @!p0 s1, $0x7  }
0x12d: {  	[tilespmem:s4], [sflag:$0x9] =	stream.linear.gather [hbm4b:s2+s4], $0x50, $0x38;
	[tilespmem:$0x1EC00] =	vst v63  }
0x12e: {  	s10 =	sor.u32 @!p0 $0x200, s8;
	s9 =	sadd.s32 @!p0 $0xD, s1;
	_ =	swait.ge @!p0 [sflag:s6], $0x2800  }
0x12f: {  	s21 =	smul.u32 @!p0 $0xA000, s1;
	s1 =	sadd.s32 @!p0 $0x1, s1;
	[sflag:s6] =	ssyncset.done @!p0 $0x0  }
0x130: {  	s5 =	simm.s32 $0x1;
	[sflag:s6] =	ssyncadd.s32 @!p0 $0xFFFFD800;
	s6 =	simm.s32 @!p0 $0x0  }
0x131: {  	[tilespmem:s10], [sflag:s9] =	stream.linear.gather @!p0 [hbm4b:s22+s6], $0x50, $0x38;
	[tilespmem:$0x1EC00] =	vst v63  }
0x132: {  	s31 =	sand.u32 $0x3, s5;
	s2 =	sshrl.u32 @!p0 s21, $0x2;
	_ =	swait.ge @!p0 [sflag:s29], $0x50  }
0x133: {  	s14 =	sadd.s32 $0x1, s31;
	s16 =	smul.u32 $0xA000, s31;
	[sflag:s29] =	ssyncset.done @!p0 $0x0  }
0x134: {  	s2 =	sor.u32 @!p0 $0x400, s2;
	s6 =	simm.s32 @!p0 $0x50;
	[sflag:s29] =	ssyncadd.s32 @!p0 $0xFFFFFFB0  }
0x135: {  	[tilespmem:s2], [sflag:s1] =	stream.indirect.gather @!p0 [hbm4b:s0+s6], $0x80, s8, s6, $0xb8;
	[tilespmem:$0x1EC00] =	vst v63  }
0x136: {  	s17 =	sadd.s32 $0xD, s31;
	_ =	swait.ge [sflag:s14], $0x2800  }
0x137: {  	s19 =	sadd.s32 $0x5, s31;
	s18 =	sshrl.u32 s16, $0x2;
	[sflag:s14] =	ssyncset.done $0x0  }
0x138: {  	s9 =	simm.s32 $0x6;
	s10 =	simm.s32 $0x2;
	[sflag:s14] =	ssyncadd.s32 $0xFFFFD800  }
0x139: {  	s29 =	sadd.s32 $0xA, s22;
	s1 =	simm.s32 $0x5;
	_ =	swait.ge [sflag:s17], $0x50  }
0x13a: {  	s2 =	sshll.u32 s31, $0x7;
	s8 =	sor.u32 $0x400, s18;
	[sflag:s17] =	ssyncset.done $0x0  }
0x13b: {  	p0 =	por $0x0, $0x0;
	s21 =	sor.u32 $0x200, s2;
	[sflag:s17] =	ssyncadd.s32 $0xFFFFFFB0  }
0x13c: {  	[spmem:s3] =	stream.indirect.scatter.add.f32 [tilespmem:s8], [sflag:s19], $0x80, s21, s15, $0xb8;
	[tilespmem:$0x1EC00] =	vst v63  }
0x13d: {  	s6 =	simm.s32 @!p0 $0x0;
	s8 =	sadd.s32 $0xA, s30;
	s21 =	smov.u32 s30  }
.LBB2_4:
0x13e: {  	s16 =	sand.u32 $0x3, s10  }
0x13f: {  	p1 =	sgt.u32 s10, $0x79;
	s5 =	smov.u32 s9;
	s14 =	smov.u32 s21  }
0x140: {  	s21 =	smov.u32 s8;
	p2 =	por p0, p0;
	p0 =	sgt.u32 s10, $0x78  }
0x141: {  	s1 =	sand.u32 @!p1 $0x3, s1;
	s10 =	smul.u32 $0xA000, s16;
	s31 =	sadd.s32 @!p2 $0x9, s31  }
0x142: {  	s17 =	sadd.s32 @!p1 $0x5, s1;
	s18 =	sshll.u32 @!p1 s1, $0x7;
	s19 =	sadd.s32 @!p1 $0xD, s1  }
0x143: {  	[tilespmem:s2], [sflag:s31] =	stream.linear.gather @!p2 [hbm4b:s14+s6], $0x50, $0x38;
	[tilespmem:$0x1EC00] =	vst v63  }
0x144: {  	s2 =	sor.u32 @!p1 $0x200, s18;
	s6 =	smul.u32 @!p1 $0xA000, s1;
	_ =	swait.ge @!p1 [sflag:s17], $0x2800  }
0x145: {  	s14 =	sadd.s32 @!p1 $0x1, s1;
	s10 =	sshrl.u32 s10, $0x2;
	[sflag:s17] =	ssyncset.done @!p1 $0x0  }
0x146: {  	s1 =	sadd.s32 @!p1 $0x9, s1;
	[sflag:s17] =	ssyncadd.s32 @!p1 $0xFFFFD800;
	s17 =	simm.s32 @!p1 $0x0  }
0x147: {  	[tilespmem:s2], [sflag:s19] =	stream.linear.gather @!p1 [hbm4b:s29+s17], $0x50, $0x38;
	[tilespmem:$0x1EC00] =	vst v63  }
0x148: {  	s9 =	sadd.s32 $0x1, s9;
	s2 =	sshrl.u32 @!p1 s6, $0x2;
	_ =	swait.ge @!p1 [sflag:s1], $0x50  }
0x149: {  	p2 =	sne.s32 s9, $0x80;
	s2 =	sor.u32 @!p1 $0x400, s2;
	[sflag:s1] =	ssyncset.done @!p1 $0x0  }
0x14a: {  	s6 =	sadd.s32 $0x1, s16;
	[sflag:s1] =	ssyncadd.s32 @!p1 $0xFFFFFFB0;
	s1 =	simm.s32 @!p1 $0x50  }
0x14b: {  	[tilespmem:s2], [sflag:s14] =	stream.indirect.gather @!p1 [hbm4b:s0+s1], $0x80, s18, s1, $0xb8;
	[tilespmem:$0x1EC00] =	vst v63  }
0x14c: {  	s31 =	smov.u32 s16;
	s1 =	smov.u32 s5;
	_ =	swait.ge [sflag:s6], $0x2800  }
0x14d: {  	s8 =	sadd.s32 $0xA, s8;
	s29 =	sadd.s32 $0xA, s29;
	[sflag:s6] =	ssyncset.done $0x0  }
.Ltmp1:
0x14e: {  	s5 =	sadd.s32 $0xD, s31;
	[sflag:s6] =	ssyncadd.s32 $0xFFFFD800;
	(pc) =	sbr.rel @p2 .LBB2_4-.Ltmp1, $4  }
0x14f: {  	s14 =	sadd.s32 $0x5, s31;
	s6 =	simm.s32 @!p0 $0x0;
	_ =	swait.ge [sflag:s5], $0x50  }
0x150: {  	s16 =	sor.u32 $0x400, s10;
	s2 =	sshll.u32 s31, $0x7;
	[sflag:s5] =	ssyncset.done $0x0  }
0x151: {  	s10 =	sadd.s32 $0xFFFFFFFD, s1;
	s17 =	sor.u32 $0x200, s2;
	[sflag:s5] =	ssyncadd.s32 $0xFFFFFFB0  }
0x152: {  	[spmem:s3] =	stream.indirect.scatter.add.f32 [tilespmem:s16], [sflag:s14], $0x80, s17, s15, $0xb8;
	[tilespmem:$0x1EC00] =	vst v63  }
0x153: {  	p1 =	sgt.u32 s10, $0x79  }
0x154: {  	p0 =	por p0, p0;
	s1 =	sand.u32 @!p1 $0x3, s1  }
0x155: {  	s5 =	sadd.s32 @!p0 $0x9, s31;
	s9 =	sadd.s32 @!p1 $0x5, s1  }
0x156: {  	[tilespmem:s2], [sflag:s5] =	stream.linear.gather @!p0 [hbm4b:s21+s6], $0x50, $0x38;
	[tilespmem:$0x1EC00] =	vst v63  }
0x157: {  	s2 =	sshll.u32 @!p1 s1, $0x7;
	s5 =	sadd.s32 @!p1 $0xD, s1;
	_ =	swait.ge @!p1 [sflag:s9], $0x2800  }
0x158: {  	s14 =	smul.u32 @!p1 $0xA000, s1;
	s16 =	sadd.s32 @!p1 $0x9, s1;
	[sflag:s9] =	ssyncset.done @!p1 $0x0  }
0x159: {  	s6 =	sor.u32 @!p1 $0x200, s2;
	[sflag:s9] =	ssyncadd.s32 @!p1 $0xFFFFD800;
	s9 =	simm.s32 @!p1 $0x0  }
0x15a: {  	[tilespmem:s6], [sflag:s5] =	stream.linear.gather @!p1 [hbm4b:s29+s9], $0x50, $0x38;
	[tilespmem:$0x1EC00] =	vst v63  }
0x15b: {  	s1 =	sadd.s32 @!p1 $0x1, s1;
	s5 =	sand.u32 $0x3, s10;
	_ =	swait.ge @!p1 [sflag:s16], $0x50  }
0x15c: {  	s6 =	sshrl.u32 @!p1 s14, $0x2;
	s9 =	simm.s32 @!p1 $0x50;
	[sflag:s16] =	ssyncset.done @!p1 $0x0  }
0x15d: {  	s6 =	sor.u32 @!p1 $0x400, s6;
	s31 =	sadd.s32 $0x1, s5;
	[sflag:s16] =	ssyncadd.s32 @!p1 $0xFFFFFFB0  }
0x15e: {  	[tilespmem:s6], [sflag:s1] =	stream.indirect.gather @!p1 [hbm4b:s0+s9], $0x80, s2, s9, $0xb8;
	[tilespmem:$0x1EC00] =	vst v63  }
0x15f: {  	_ =	swait.ge [sflag:s31], $0x2800  }
0x160: {  	p0 =	sgt.u32 s10, $0x78;
	[sflag:s31] =	ssyncset.done $0x0  }
0x161: {  	s16 =	sadd.s32 $0xD, s5;
	s9 =	smul.u32 $0xA000, s5;
	[sflag:s31] =	ssyncadd.s32 $0xFFFFD800  }
0x162: {  	s17 =	sadd.s32 $0x5, s5;
	p1 =	por p0, p0;
	_ =	swait.ge [sflag:s16], $0x50  }
0x163: {  	s1 =	sshrl.u32 s9, $0x2;
	s9 =	sshll.u32 s5, $0x7;
	[sflag:s16] =	ssyncset.done $0x0  }
0x164: {  	s1 =	sor.u32 $0x400, s1;
	s18 =	sor.u32 $0x200, s9;
	[sflag:s16] =	ssyncadd.s32 $0xFFFFFFB0  }
0x165: {  	[spmem:s3] =	stream.indirect.scatter.add.f32 [tilespmem:s1], [sflag:s17], $0x80, s18, s15, $0xb8;
	[tilespmem:$0x1EC00] =	vst v63  }
0x166: {  	s2 =	sadd.s32 @!p1 $0x9, s5;
	s1 =	simm.s32 @!p0 $0x0  }
0x167: {  	[tilespmem:s9], [sflag:s2] =	stream.linear.gather @!p1 [hbm4b:s8+s1], $0x50, $0x38;
	[tilespmem:$0x1EC00] =	vst v63  }
0x168: {  	_ =	swait.ge [sflag:s24], $0x2800  }
0x169: {  	[sflag:s24] =	ssyncset.done $0x0  }
0x16a: {  	[sflag:s24] =	ssyncadd.s32 $0xFFFFD800  }
0x16b: {  	_ =	swait.ge [sflag:s25], $0x2800  }
0x16c: {  	[sflag:s25] =	ssyncset.done $0x0  }
0x16d: {  	[sflag:s25] =	ssyncadd.s32 $0xFFFFD800  }
0x16e: {  	_ =	swait.ge [sflag:s26], $0x2800  }
0x16f: {  	[sflag:s26] =	ssyncset.done $0x0  }
0x170: {  	[sflag:s26] =	ssyncadd.s32 $0xFFFFD800  }
0x171: {  	_ =	swait.ge [sflag:s7], $0x2800  }
0x172: {  	[sflag:s7] =	ssyncset.done $0x0  }
0x173: {  	s19 =	stileid.u32;
	[sflag:s7] =	ssyncadd.s32 $0xFFFFD800  }
0x174: {  	s1 =	sshll.u32 s19, $0x6;
	[bflag:$0x0] =	sbarrier.arrive $0xFFFF  }
0x175: {  	s21 =	sshrl.u32 s12, $0x3;
	s1 =	sor.u32 $0x1C11, s1;
	s29 =	rddreg [dreg:$0x15]  }
0x176: {  	[hbm:s29], [sflag:s1] =	dma.local [spmem:s21], $0x2800  }
0x177: {  	_ =	swait.ge [sflag:s13], $0x2800  }
0x178: {  	s28 =	sadd.s32 $0x1, s28;
	s31 =	rddreg [dreg:$0x16]  }
0x179: {  	p0 =	sne.s32 s28, s31  }
.Ltmp2:
0x17a: {  	_ = 	snop;
	(pc) =	sbr.rel @p0 .LBB2_1-.Ltmp2, $3  }
0x17b: {  	_ =	sdelay $0x1  }
0x17c: {  	s6 =	simm.s32 $0x80;
	s5 =	simm.s32 $0x200;
	[sflag:s13] =	ssyncset.done $0x0  }
0x17d: {  	s8 =	simm.s32 $0x100;
	s9 =	simm.s32 $0x180;
	[sflag:s13] =	ssyncadd.s32 $0xFFFFD800  }
0x17e: {  	_ =	sfence.sel $0x180000  }
0x17f: {  	[bflag:$0x0] =	sbarrier.arrive $0xFFFF  }
0x180: {  	_ =	strace $0x90000047  }
0x181: {  	s0 =	stileid.u32;
	[bflag:$0x2] =	sbarrier.arrive $0xFFFF  }
0x182: {  	p0 =	sne.s32 s0, $0x0;
	s0 =	rddreg [dreg:$0x4]  }
0x183: {  	s0 =	sadd.s32 @!p0 $0x100000, s0  }
0x184: {  	[sflag:s0] =	ssyncadd.tile.s32 @!p0 $0x1;
	_ =	shalt  }
.Lfunc_end2:
_tile_overlayer_lowered:
.L_overlay_start_2:
0x185: {  	(tag) =	ssettag $0x2  }
0x186: {  	s0 =	rddreg [dreg:$0x0];
	s2 =	stileid.u32  }
0x187: {  	s1 =	rddreg [dreg:$0x1];
	p0 =	sne.s32 s2, $0x0  }
0x188: {  	s3 =	rddreg [dreg:$0x2];
	[bflag:$0x3] =	sbarrier.arrive $0xFFFF;
	s2 =	simm.s32 @!p0 $0x1C11  }
0x189: {  	[timem:s3], [sflag:s2] =	dma.local @!p0 [hbm:s0], s1  }
0x18a: {  	s0 =	simm.s32 @!p0 $0x11  }
0x18b: {  	_ =	swait.ge @!p0 [sflag:s0], s1  }
0x18c: {  	s1 =	ssub.s32 @!p0 $0x0, s1;
	[sflag:s0] =	ssyncset.done @!p0 $0x0  }
0x18d: {  	[sflag:s0] =	ssyncadd.s32 @!p0 s1  }
0x18e: {  	[bflag:$0x3] =	sbarrier.arrive $0xFFFF  }
0x18f: {  	_ =	shalt  }

</sc_bundles>
